<compile_context>
chip_gen: v7x
topology: tpu7x:2x2x1
jax: 0.10.2.dev20260603
libtpu: 0.0.44.dev20260713+nightly
codegen_flags: <defaults>
</compile_context>

<pallas_src>
import functools

import jax
import jax.numpy as jnp
from jax import lax
from jax.experimental import pallas as pl
from jax.experimental.pallas import tpu as pltpu
from jax.experimental.pallas import tpu_sc as plsc

_N = 1_000_000
_NW = 32
_CH = 31_232
_NCK = 2
_QC = _CH // _NCK
_QGROUPS = _QC // 16
_QBUF = _QC + 16
_TAIL_START = _NW * _CH
_TAIL_PAIRS = _N - 1 - _TAIL_START
_TAIL_ELEMS = _N - _TAIL_START
_TAIL_GROUPS = 36
_DELTA2 = 1e-6
_LAM = 0.1
_STEP = 1.0000010206567822e-06


def _sc_partials(array):
    mesh = plsc.VectorSubcoreMesh(core_axis_name="c", subcore_axis_name="s")

    @functools.partial(
        pl.kernel,
        mesh=mesh,
        out_type=jax.ShapeDtypeStruct((_NW, 32), jnp.float32),
        scratch_types=(
            [pltpu.VMEM((_QBUF,), jnp.float32)] * _NCK + [
                pltpu.VMEM((592,), jnp.float32),
                pltpu.VMEM((32,), jnp.float32),
            ] + [pltpu.SemaphoreType.DMA] * (_NCK + 1)
        ),
    )
    def k(arr_hbm, out_hbm, *scr):
        abufs = scr[0:_NCK]
        tabuf, sbuf = scr[_NCK], scr[_NCK + 1]
        sems = scr[_NCK + 2:]
        semt = sems[_NCK]
        wid = lax.axis_index("s") * 2 + lax.axis_index("c")
        base = wid * _CH
        lanes = lax.iota(jnp.int32, 16)
        lanes_f = lanes.astype(jnp.float32)

        handles = []
        for q in range(_NCK):
            off = base + q * _QC
            ha = pltpu.async_copy(arr_hbm.at[pl.ds(off, _QBUF)],
                                  abufs[q], sems[q])
            handles.append(ha)
        tabuf[pl.ds(_TAIL_ELEMS, 16)] = jnp.zeros((16,), jnp.float32)
        hta = pltpu.async_copy(arr_hbm.at[pl.ds(_TAIL_START, _TAIL_ELEMS)],
                               tabuf.at[pl.ds(0, _TAIL_ELEMS)], semt)

        accs = jnp.zeros((16,), jnp.float32)
        acct = jnp.zeros((16,), jnp.float32)

        for q in range(_NCK):
            handles[q].wait()
            abuf = abufs[q]
            kf0 = lanes_f + (base + q * _QC).astype(jnp.float32)

            def body(j, carry, abuf=abuf):
                a_s, a_t, kf = carry
                o = j * 16
                a0 = abuf[pl.ds(o, 16)]
                a1 = abuf[pl.ds(o + 1, 16)]
                i0 = kf * _STEP
                i1 = (kf + 1.0) * _STEP
                u = (1.0 - _LAM) * (i1 - i0)
                m = jnp.maximum(a0 - a1, 0.0)
                gd = m * u
                return (a_s + gd / (u + _DELTA2), a_t + gd, kf + 16.0)

            accs, acct, _ = lax.fori_loop(
                0, _QGROUPS, body, (accs, acct, kf0), unroll=16)

        hta.wait()
        w0 = jnp.minimum(jnp.maximum(1 - wid, 0), 1).astype(jnp.float32)
        tkf0 = lanes_f + jnp.float32(_TAIL_START)

        def tbody(j, carry):
            a_s, a_t, kf = carry
            o = j * 16
            a0 = tabuf[pl.ds(o, 16)]
            a1 = tabuf[pl.ds(o + 1, 16)]
            i0 = kf * _STEP
            i1 = (kf + 1.0) * _STEP
            u = (1.0 - _LAM) * (i1 - i0)
            m = jnp.maximum(a0 - a1, 0.0)
            gd = m * u
            g = gd / (u + _DELTA2)
            mi = jnp.minimum(jnp.maximum(_TAIL_PAIRS - (o + lanes), 0), 1)
            mf = mi.astype(jnp.float32) * w0
            return (a_s + g * mf, a_t + gd * mf, kf + 16.0)

        accs, acct, _ = lax.fori_loop(
            0, _TAIL_GROUPS, tbody, (accs, acct, tkf0), unroll=4)

        sbuf[pl.ds(0, 16)] = accs
        sbuf[pl.ds(16, 16)] = acct
        pltpu.sync_copy(sbuf, out_hbm.at[wid])

    return k(array)


def _combine(p_ref, o_ref):
    p = p_ref[...]
    s = jnp.sum(p[:, :16])
    t = jnp.sum(p[:, 16:])
    den = s + 1e-5
    o_ref[0, 0] = 100.0 * (s / den + 0.001 * (t / den))


def kernel(indices, array):
    del indices
    parts = _sc_partials(array)
    res = pl.pallas_call(
        _combine,
        out_shape=jax.ShapeDtypeStruct((1, 1), jnp.float32),
        out_specs=pl.BlockSpec(memory_space=pltpu.SMEM),
    )(parts)
    return res[0, 0]

# --- scband reference (transcript-rebuilt; emitter-appended) ---
"""Pipeline reference for scband-sort-model-79061757984945 (READ-ONLY COPY).

The authoritative reference and input builder live on the scoring server;
editing this copy changes nothing except your own understanding.
"""

import jax, jax.numpy as jnp
import numpy as np

N = 1000000

def setup_inputs(seed: int = 0) -> dict:
    key = jax.random.key(seed)
    array = jax.random.normal(jax.random.fold_in(key, 0), (N,), dtype=jnp.float32)
    # learned parameter: nn.Parameter(torch.linspace(0, 1, array_length))
    indices = jnp.linspace(0.0, 1.0, N, dtype=jnp.float32)
    return {"indices": indices, "array": array}


def reference(indices, array):
    clamped = jnp.clip(indices, 0.0, 1.0)
    lam = 0.1
    m = jnp.mean(clamped)
    clamped = (1.0 - lam) * clamped + lam * m
    eps = 1e-06
    positional = eps * jnp.arange(clamped.shape[0], dtype=clamped.dtype)
    clamped = clamped + positional

    # FuncGenerator.make_piecewise_linear(xp=clamped, yp=array)
    order = jnp.argsort(jax.lax.stop_gradient(clamped))
    xp = clamped[order]
    yp = array[order]
    n = xp.shape[0]

    def f(x):
        lo = jax.lax.stop_gradient(xp[0])
        hi = jax.lax.stop_gradient(xp[-1])
        x_clamped = jnp.clip(x, lo, hi)
        i = jnp.searchsorted(jax.lax.stop_gradient(xp), jax.lax.stop_gradient(x_clamped), side='right') - 1
        i = jnp.clip(i, 0, n - 2)
        x0 = xp[i]
        x1 = xp[i + 1]
        y0 = yp[i]
        y1 = yp[i + 1]
        return y0 + (x_clamped - x0) * (y1 - y0) / (x1 - x0)

    alpha = 100.0
    delta = 5e-07
    sorted_indices = jnp.sort(clamped)
    left_points = sorted_indices[:-1] + delta
    right_points = sorted_indices[1:] - delta
    left_items = f(left_points)
    right_items = f(right_points)
    gaps = jax.nn.relu(left_items - right_items)
    gaps = gaps / (gaps.sum() + 1e-05)
    spacing = gaps * jnp.abs(sorted_indices[:-1] - sorted_indices[1:])
    total_loss = gaps.sum() + 0.001 * spacing.sum()
    return alpha * total_loss

if __name__ == "__main__":
    import jax
    _d = setup_inputs()
    print(jax.jit(kernel)(*tuple(_d.values())))

</pallas_src>

<mosaic_0001>
#map = affine_map<(d0, d1) -> (0)>
#map1 = affine_map<(d0, d1) -> (0, 0)>
module attributes {stable_mosaic.version = 14 : i64} {
  func.func @k(%arg0: i32, %arg1: i32, %arg2: memref<1000000xf32, #tpu.memory_space<hbm>>, %arg3: memref<32x32xf32, #tpu.memory_space<hbm>>, %arg4: memref<15632xf32, #tpu.memory_space<vmem>>, %arg5: memref<15632xf32, #tpu.memory_space<vmem>>, %arg6: memref<592xf32, #tpu.memory_space<vmem>>, %arg7: memref<32xf32, #tpu.memory_space<vmem>>, %arg8: memref<!tpu.dma_semaphore, #tpu.memory_space<semaphore_mem>>, %arg9: memref<!tpu.dma_semaphore, #tpu.memory_space<semaphore_mem>>, %arg10: memref<!tpu.dma_semaphore, #tpu.memory_space<semaphore_mem>>) attributes {dimension_semantics = [#tpu.dimension_semantics<core_parallel>, #tpu.dimension_semantics<subcore_parallel>], iteration_bounds = array<i64: 2, 16>, scalar_prefetch = 0 : i64, scratch_operands = 7 : i64, tpu.core_type = #tpu.core_type<sc_vector_subcore>, window_params = [{transform_indices = #map}, {transform_indices = #map1}]} {
    %mul3A = arith.constant 2 : i32
    %mul3A_0 = arith.muli %arg1, %mul3A : i32
    %add3A = arith.addi %mul3A_0, %arg0 : i32
    %mul3A_1 = arith.constant 31232 : i32
    %mul3A_2 = arith.muli %add3A, %mul3A_1 : i32
    %iota3A = tpu.iota {dimensions = array<i32: 0>} : vector<16xi32>
    %convert_element_type3A = arith.sitofp %iota3A : vector<16xi32> to vector<16xf32>
    %add3A_3 = arith.constant 0 : i32
    %add3A_4 = arith.addi %mul3A_2, %add3A_3 : i32
    %dma_start3A = tpu.memref_slice %arg2[%add3A_4] : memref<1000000xf32, #tpu.memory_space<hbm>> -> memref<15632xf32, #tpu.memory_space<hbm>>
    %dma_start3A_5 = tpu.memref_slice %arg2[%add3A_4] : memref<1000000xf32, #tpu.memory_space<hbm>> -> memref<15632xf32, #tpu.memory_space<hbm>>
    tpu.enqueue_dma source(%dma_start3A_5 : memref<15632xf32, #tpu.memory_space<hbm>>) target(%arg4 : memref<15632xf32, #tpu.memory_space<vmem>>) target_semaphore(%arg8 : memref<!tpu.dma_semaphore, #tpu.memory_space<semaphore_mem>>)
    %add3A_6 = arith.constant 15616 : i32
    %add3A_7 = arith.addi %mul3A_2, %add3A_6 : i32
    %dma_start3A_8 = tpu.memref_slice %arg2[%add3A_7] : memref<1000000xf32, #tpu.memory_space<hbm>> -> memref<15632xf32, #tpu.memory_space<hbm>>
    %dma_start3A_9 = tpu.memref_slice %arg2[%add3A_7] : memref<1000000xf32, #tpu.memory_space<hbm>> -> memref<15632xf32, #tpu.memory_space<hbm>>
    tpu.enqueue_dma source(%dma_start3A_9 : memref<15632xf32, #tpu.memory_space<hbm>>) target(%arg5 : memref<15632xf32, #tpu.memory_space<vmem>>) target_semaphore(%arg9 : memref<!tpu.dma_semaphore, #tpu.memory_space<semaphore_mem>>)
    %broadcast_in_dim3A = arith.constant 0.000000e+00 : f32
    %broadcast_in_dim3A_10 = vector.broadcast %broadcast_in_dim3A : f32 to vector<16xf32>
    %swap3A = arith.constant 576 : index
    %swap3A_11 = tpu.vector_load %arg6[%swap3A] {strides = array<i32>} : memref<592xf32, #tpu.memory_space<vmem>>, vector<16xf32>,
    %swap3A_12 = vector.shape_cast %swap3A_11 : vector<16xf32> to vector<16xf32>
    %swap3A_13 = vector.shape_cast %broadcast_in_dim3A_10 : vector<16xf32> to vector<16xf32>
    tpu.vector_store %arg6[%swap3A], %swap3A_13 {strides = array<i32>} : memref<592xf32, #tpu.memory_space<vmem>>, vector<16xf32>,
    %dma_start3A_14 = arith.constant 0 : i32
    %dma_start3A_15 = tpu.memref_slice %arg6[%dma_start3A_14] : memref<592xf32, #tpu.memory_space<vmem>> -> memref<576xf32, #tpu.memory_space<vmem>>
    %dma_start3A_16 = arith.constant 999424 : i32
    %dma_start3A_17 = tpu.memref_slice %arg2[%dma_start3A_16] : memref<1000000xf32, #tpu.memory_space<hbm>> -> memref<576xf32, #tpu.memory_space<hbm>>
    %dma_start3A_18 = arith.constant 0 : i32
    %dma_start3A_19 = tpu.memref_slice %arg6[%dma_start3A_18] : memref<592xf32, #tpu.memory_space<vmem>> -> memref<576xf32, #tpu.memory_space<vmem>>
    %dma_start3A_20 = arith.constant 999424 : i32
    %dma_start3A_21 = tpu.memref_slice %arg2[%dma_start3A_20] : memref<1000000xf32, #tpu.memory_space<hbm>> -> memref<576xf32, #tpu.memory_space<hbm>>
    tpu.enqueue_dma source(%dma_start3A_21 : memref<576xf32, #tpu.memory_space<hbm>>) target(%dma_start3A_19 : memref<576xf32, #tpu.memory_space<vmem>>) target_semaphore(%arg10 : memref<!tpu.dma_semaphore, #tpu.memory_space<semaphore_mem>>)
    %broadcast_in_dim3A_22 = arith.constant 0.000000e+00 : f32
    %broadcast_in_dim3A_23 = vector.broadcast %broadcast_in_dim3A_22 : f32 to vector<16xf32>
    %broadcast_in_dim3A_24 = arith.constant 0.000000e+00 : f32
    %broadcast_in_dim3A_25 = vector.broadcast %broadcast_in_dim3A_24 : f32 to vector<16xf32>
    %dma_wait3A = tpu.memref_slice %arg2[%add3A_4] : memref<1000000xf32, #tpu.memory_space<hbm>> -> memref<15632xf32, #tpu.memory_space<hbm>>
    %dma_wait3A_26 = tpu.memref_slice %arg2[%add3A_4] : memref<1000000xf32, #tpu.memory_space<hbm>> -> memref<15632xf32, #tpu.memory_space<hbm>>
    tpu.wait_dma2 semaphore(%arg8 : memref<!tpu.dma_semaphore, #tpu.memory_space<semaphore_mem>>) src(%dma_wait3A_26 : memref<15632xf32, #tpu.memory_space<hbm>>) dst(%arg4 : memref<15632xf32, #tpu.memory_space<vmem>>)
    %add3A_27 = arith.constant 0 : i32
    %add3A_28 = arith.addi %mul3A_2, %add3A_27 : i32
    %convert_element_type3A_29 = arith.sitofp %add3A_28 : i32 to f32
    %add3A_30 = vector.broadcast %convert_element_type3A_29 : f32 to vector<16xf32>
    %add3A_31 = arith.addf %convert_element_type3A, %add3A_30 : vector<16xf32>
    %scan3A = arith.constant 0 : i32
    %scan3A_32 = arith.constant 976 : i32
    %scan3A_33 = arith.addi %scan3A, %scan3A_32 : i32
    %scan3A_34 = arith.constant 16 : i32
    %scan3A_35:3 = scf.for %scan3A_79 = %scan3A to %scan3A_33 step %scan3A_34 iter_args(%scan3A_80 = %broadcast_in_dim3A_23, %scan3A_81 = %broadcast_in_dim3A_25, %scan3A_82 = %add3A_31) -> (vector<16xf32>, vector<16xf32>, vector<16xf32>)  : i32 {
      %mul3A_83 = arith.constant 16 : i32
      %mul3A_84 = arith.muli %scan3A_79, %mul3A_83 : i32
      %get3A = arith.index_cast %mul3A_84 : i32 to index
      %get3A_85 = tpu.vector_load %arg4[%get3A] {strides = array<i32>} : memref<15632xf32, #tpu.memory_space<vmem>>, vector<16xf32>,
      %get3A_86 = vector.shape_cast %get3A_85 : vector<16xf32> to vector<16xf32>
      %add3A_87 = arith.constant 1 : i32
      %add3A_88 = arith.addi %mul3A_84, %add3A_87 : i32
      %get3A_89 = arith.index_cast %add3A_88 : i32 to index
      %get3A_90 = tpu.vector_load %arg4[%get3A_89] {strides = array<i32>} : memref<15632xf32, #tpu.memory_space<vmem>>, vector<16xf32>,
      %get3A_91 = vector.shape_cast %get3A_90 : vector<16xf32> to vector<16xf32>
      %mul3A_92 = arith.constant 1.00000102E-6 : f32
      %mul3A_93 = vector.broadcast %mul3A_92 : f32 to vector<16xf32>
      %mul3A_94 = arith.mulf %scan3A_82, %mul3A_93 : vector<16xf32>
      %add3A_95 = arith.constant 1.000000e+00 : f32
      %add3A_96 = vector.broadcast %add3A_95 : f32 to vector<16xf32>
      %add3A_97 = arith.addf %scan3A_82, %add3A_96 : vector<16xf32>
      %mul3A_98 = arith.constant 1.00000102E-6 : f32
      %mul3A_99 = vector.broadcast %mul3A_98 : f32 to vector<16xf32>
      %mul3A_100 = arith.mulf %add3A_97, %mul3A_99 : vector<16xf32>
      %sub3A_101 = arith.subf %mul3A_100, %mul3A_94 : vector<16xf32>
      %mul3A_102 = arith.constant 0.899999976 : f32
      %mul3A_103 = vector.broadcast %mul3A_102 : f32 to vector<16xf32>
      %mul3A_104 = arith.mulf %mul3A_103, %sub3A_101 : vector<16xf32>
      %sub3A_105 = arith.subf %get3A_86, %get3A_91 : vector<16xf32>
      %max3A_106 = arith.constant 0.000000e+00 : f32
      %max3A_107 = vector.broadcast %max3A_106 : f32 to vector<16xf32>
      %max3A_108 = arith.maximumf %sub3A_105, %max3A_107 : vector<16xf32>
      %mul3A_109 = arith.mulf %max3A_108, %mul3A_104 : vector<16xf32>
      %add3A_110 = arith.constant 9.99999997E-7 : f32
      %add3A_111 = vector.broadcast %add3A_110 : f32 to vector<16xf32>
      %add3A_112 = arith.addf %mul3A_104, %add3A_111 : vector<16xf32>
      %div3A = arith.divf %mul3A_109, %add3A_112 : vector<16xf32>
      %add3A_113 = arith.addf %scan3A_80, %div3A : vector<16xf32>
      %add3A_114 = arith.addf %scan3A_81, %mul3A_109 : vector<16xf32>
      %add3A_115 = arith.constant 1.600000e+01 : f32
      %add3A_116 = vector.broadcast %add3A_115 : f32 to vector<16xf32>
      %add3A_117 = arith.addf %scan3A_82, %add3A_116 : vector<16xf32>
      %scan3A_118 = arith.constant 1 : i32
      %scan3A_119 = arith.addi %scan3A_79, %scan3A_118 : i32
      %mul3A_120 = arith.constant 16 : i32
      %mul3A_121 = arith.muli %scan3A_119, %mul3A_120 : i32
      %get3A_122 = arith.index_cast %mul3A_121 : i32 to index
      %get3A_123 = tpu.vector_load %arg4[%get3A_122] {strides = array<i32>} : memref<15632xf32, #tpu.memory_space<vmem>>, vector<16xf32>,
      %get3A_124 = vector.shape_cast %get3A_123 : vector<16xf32> to vector<16xf32>
      %add3A_125 = arith.constant 1 : i32
      %add3A_126 = arith.addi %mul3A_121, %add3A_125 : i32
      %get3A_127 = arith.index_cast %add3A_126 : i32 to index
      %get3A_128 = tpu.vector_load %arg4[%get3A_127] {strides = array<i32>} : memref<15632xf32, #tpu.memory_space<vmem>>, vector<16xf32>,
      %get3A_129 = vector.shape_cast %get3A_128 : vector<16xf32> to vector<16xf32>
      %mul3A_130 = arith.constant 1.00000102E-6 : f32
      %mul3A_131 = vector.broadcast %mul3A_130 : f32 to vector<16xf32>
      %mul3A_132 = arith.mulf %add3A_117, %mul3A_131 : vector<16xf32>
      %add3A_133 = arith.constant 1.000000e+00 : f32
      %add3A_134 = vector.broadcast %add3A_133 : f32 to vector<16xf32>
      %add3A_135 = arith.addf %add3A_117, %add3A_134 : vector<16xf32>
      %mul3A_136 = arith.constant 1.00000102E-6 : f32
      %mul3A_137 = vector.broadcast %mul3A_136 : f32 to vector<16xf32>
      %mul3A_138 = arith.mulf %add3A_135, %mul3A_137 : vector<16xf32>
      %sub3A_139 = arith.subf %mul3A_138, %mul3A_132 : vector<16xf32>
      %mul3A_140 = arith.constant 0.899999976 : f32
      %mul3A_141 = vector.broadcast %mul3A_140 : f32 to vector<16xf32>
      %mul3A_142 = arith.mulf %mul3A_141, %sub3A_139 : vector<16xf32>
      %sub3A_143 = arith.subf %get3A_124, %get3A_129 : vector<16xf32>
      %max3A_144 = arith.constant 0.000000e+00 : f32
      %max3A_145 = vector.broadcast %max3A_144 : f32 to vector<16xf32>
      %max3A_146 = arith.maximumf %sub3A_143, %max3A_145 : vector<16xf32>
      %mul3A_147 = arith.mulf %max3A_146, %mul3A_142 : vector<16xf32>
      %add3A_148 = arith.constant 9.99999997E-7 : f32
      %add3A_149 = vector.broadcast %add3A_148 : f32 to vector<16xf32>
      %add3A_150 = arith.addf %mul3A_142, %add3A_149 : vector<16xf32>
      %div3A_151 = arith.divf %mul3A_147, %add3A_150 : vector<16xf32>
      %add3A_152 = arith.addf %add3A_113, %div3A_151 : vector<16xf32>
      %add3A_153 = arith.addf %add3A_114, %mul3A_147 : vector<16xf32>
      %add3A_154 = arith.constant 1.600000e+01 : f32
      %add3A_155 = vector.broadcast %add3A_154 : f32 to vector<16xf32>
      %add3A_156 = arith.addf %add3A_117, %add3A_155 : vector<16xf32>
      %scan3A_157 = arith.constant 2 : i32
      %scan3A_158 = arith.addi %scan3A_79, %scan3A_157 : i32
      %mul3A_159 = arith.constant 16 : i32
      %mul3A_160 = arith.muli %scan3A_158, %mul3A_159 : i32
      %get3A_161 = arith.index_cast %mul3A_160 : i32 to index
      %get3A_162 = tpu.vector_load %arg4[%get3A_161] {strides = array<i32>} : memref<15632xf32, #tpu.memory_space<vmem>>, vector<16xf32>,
      %get3A_163 = vector.shape_cast %get3A_162 : vector<16xf32> to vector<16xf32>
      %add3A_164 = arith.constant 1 : i32
      %add3A_165 = arith.addi %mul3A_160, %add3A_164 : i32
      %get3A_166 = arith.index_cast %add3A_165 : i32 to index
      %get3A_167 = tpu.vector_load %arg4[%get3A_166] {strides = array<i32>} : memref<15632xf32, #tpu.memory_space<vmem>>, vector<16xf32>,
      %get3A_168 = vector.shape_cast %get3A_167 : vector<16xf32> to vector<16xf32>
      %mul3A_169 = arith.constant 1.00000102E-6 : f32
      %mul3A_170 = vector.broadcast %mul3A_169 : f32 to vector<16xf32>
      %mul3A_171 = arith.mulf %add3A_156, %mul3A_170 : vector<16xf32>
      %add3A_172 = arith.constant 1.000000e+00 : f32
      %add3A_173 = vector.broadcast %add3A_172 : f32 to vector<16xf32>
      %add3A_174 = arith.addf %add3A_156, %add3A_173 : vector<16xf32>
      %mul3A_175 = arith.constant 1.00000102E-6 : f32
      %mul3A_176 = vector.broadcast %mul3A_175 : f32 to vector<16xf32>
      %mul3A_177 = arith.mulf %add3A_174, %mul3A_176 : vector<16xf32>
      %sub3A_178 = arith.subf %mul3A_177, %mul3A_171 : vector<16xf32>
      %mul3A_179 = arith.constant 0.899999976 : f32
      %mul3A_180 = vector.broadcast %mul3A_179 : f32 to vector<16xf32>
      %mul3A_181 = arith.mulf %mul3A_180, %sub3A_178 : vector<16xf32>
      %sub3A_182 = arith.subf %get3A_163, %get3A_168 : vector<16xf32>
      %max3A_183 = arith.constant 0.000000e+00 : f32
      %max3A_184 = vector.broadcast %max3A_183 : f32 to vector<16xf32>
      %max3A_185 = arith.maximumf %sub3A_182, %max3A_184 : vector<16xf32>
      %mul3A_186 = arith.mulf %max3A_185, %mul3A_181 : vector<16xf32>
      %add3A_187 = arith.constant 9.99999997E-7 : f32
      %add3A_188 = vector.broadcast %add3A_187 : f32 to vector<16xf32>
      %add3A_189 = arith.addf %mul3A_181, %add3A_188 : vector<16xf32>
      %div3A_190 = arith.divf %mul3A_186, %add3A_189 : vector<16xf32>
      %add3A_191 = arith.addf %add3A_152, %div3A_190 : vector<16xf32>
      %add3A_192 = arith.addf %add3A_153, %mul3A_186 : vector<16xf32>
      %add3A_193 = arith.constant 1.600000e+01 : f32
      %add3A_194 = vector.broadcast %add3A_193 : f32 to vector<16xf32>
      %add3A_195 = arith.addf %add3A_156, %add3A_194 : vector<16xf32>
      %scan3A_196 = arith.constant 3 : i32
      %scan3A_197 = arith.addi %scan3A_79, %scan3A_196 : i32
      %mul3A_198 = arith.constant 16 : i32
      %mul3A_199 = arith.muli %scan3A_197, %mul3A_198 : i32
      %get3A_200 = arith.index_cast %mul3A_199 : i32 to index
      %get3A_201 = tpu.vector_load %arg4[%get3A_200] {strides = array<i32>} : memref<15632xf32, #tpu.memory_space<vmem>>, vector<16xf32>,
      %get3A_202 = vector.shape_cast %get3A_201 : vector<16xf32> to vector<16xf32>
      %add3A_203 = arith.constant 1 : i32
      %add3A_204 = arith.addi %mul3A_199, %add3A_203 : i32
      %get3A_205 = arith.index_cast %add3A_204 : i32 to index
      %get3A_206 = tpu.vector_load %arg4[%get3A_205] {strides = array<i32>} : memref<15632xf32, #tpu.memory_space<vmem>>, vector<16xf32>,
      %get3A_207 = vector.shape_cast %get3A_206 : vector<16xf32> to vector<16xf32>
      %mul3A_208 = arith.constant 1.00000102E-6 : f32
      %mul3A_209 = vector.broadcast %mul3A_208 : f32 to vector<16xf32>
      %mul3A_210 = arith.mulf %add3A_195, %mul3A_209 : vector<16xf32>
      %add3A_211 = arith.constant 1.000000e+00 : f32
      %add3A_212 = vector.broadcast %add3A_211 : f32 to vector<16xf32>
      %add3A_213 = arith.addf %add3A_195, %add3A_212 : vector<16xf32>
      %mul3A_214 = arith.constant 1.00000102E-6 : f32
      %mul3A_215 = vector.broadcast %mul3A_214 : f32 to vector<16xf32>
      %mul3A_216 = arith.mulf %add3A_213, %mul3A_215 : vector<16xf32>
      %sub3A_217 = arith.subf %mul3A_216, %mul3A_210 : vector<16xf32>
      %mul3A_218 = arith.constant 0.899999976 : f32
      %mul3A_219 = vector.broadcast %mul3A_218 : f32 to vector<16xf32>
      %mul3A_220 = arith.mulf %mul3A_219, %sub3A_217 : vector<16xf32>
      %sub3A_221 = arith.subf %get3A_202, %get3A_207 : vector<16xf32>
      %max3A_222 = arith.constant 0.000000e+00 : f32
      %max3A_223 = vector.broadcast %max3A_222 : f32 to vector<16xf32>
      %max3A_224 = arith.maximumf %sub3A_221, %max3A_223 : vector<16xf32>
      %mul3A_225 = arith.mulf %max3A_224, %mul3A_220 : vector<16xf32>
      %add3A_226 = arith.constant 9.99999997E-7 : f32
      %add3A_227 = vector.broadcast %add3A_226 : f32 to vector<16xf32>
      %add3A_228 = arith.addf %mul3A_220, %add3A_227 : vector<16xf32>
      %div3A_229 = arith.divf %mul3A_225, %add3A_228 : vector<16xf32>
      %add3A_230 = arith.addf %add3A_191, %div3A_229 : vector<16xf32>
      %add3A_231 = arith.addf %add3A_192, %mul3A_225 : vector<16xf32>
      %add3A_232 = arith.constant 1.600000e+01 : f32
      %add3A_233 = vector.broadcast %add3A_232 : f32 to vector<16xf32>
      %add3A_234 = arith.addf %add3A_195, %add3A_233 : vector<16xf32>
      %scan3A_235 = arith.constant 4 : i32
      %scan3A_236 = arith.addi %scan3A_79, %scan3A_235 : i32
      %mul3A_237 = arith.constant 16 : i32
      %mul3A_238 = arith.muli %scan3A_236, %mul3A_237 : i32
      %get3A_239 = arith.index_cast %mul3A_238 : i32 to index
      %get3A_240 = tpu.vector_load %arg4[%get3A_239] {strides = array<i32>} : memref<15632xf32, #tpu.memory_space<vmem>>, vector<16xf32>,
      %get3A_241 = vector.shape_cast %get3A_240 : vector<16xf32> to vector<16xf32>
      %add3A_242 = arith.constant 1 : i32
      %add3A_243 = arith.addi %mul3A_238, %add3A_242 : i32
      %get3A_244 = arith.index_cast %add3A_243 : i32 to index
      %get3A_245 = tpu.vector_load %arg4[%get3A_244] {strides = array<i32>} : memref<15632xf32, #tpu.memory_space<vmem>>, vector<16xf32>,
      %get3A_246 = vector.shape_cast %get3A_245 : vector<16xf32> to vector<16xf32>
      %mul3A_247 = arith.constant 1.00000102E-6 : f32
      %mul3A_248 = vector.broadcast %mul3A_247 : f32 to vector<16xf32>
      %mul3A_249 = arith.mulf %add3A_234, %mul3A_248 : vector<16xf32>
      %add3A_250 = arith.constant 1.000000e+00 : f32
      %add3A_251 = vector.broadcast %add3A_250 : f32 to vector<16xf32>
      %add3A_252 = arith.addf %add3A_234, %add3A_251 : vector<16xf32>
      %mul3A_253 = arith.constant 1.00000102E-6 : f32
      %mul3A_254 = vector.broadcast %mul3A_253 : f32 to vector<16xf32>
      %mul3A_255 = arith.mulf %add3A_252, %mul3A_254 : vector<16xf32>
      %sub3A_256 = arith.subf %mul3A_255, %mul3A_249 : vector<16xf32>
      %mul3A_257 = arith.constant 0.899999976 : f32
      %mul3A_258 = vector.broadcast %mul3A_257 : f32 to vector<16xf32>
      %mul3A_259 = arith.mulf %mul3A_258, %sub3A_256 : vector<16xf32>
      %sub3A_260 = arith.subf %get3A_241, %get3A_246 : vector<16xf32>
      %max3A_261 = arith.constant 0.000000e+00 : f32
      %max3A_262 = vector.broadcast %max3A_261 : f32 to vector<16xf32>
      %max3A_263 = arith.maximumf %sub3A_260, %max3A_262 : vector<16xf32>
      %mul3A_264 = arith.mulf %max3A_263, %mul3A_259 : vector<16xf32>
      %add3A_265 = arith.constant 9.99999997E-7 : f32
      %add3A_266 = vector.broadcast %add3A_265 : f32 to vector<16xf32>
      %add3A_267 = arith.addf %mul3A_259, %add3A_266 : vector<16xf32>
      %div3A_268 = arith.divf %mul3A_264, %add3A_267 : vector<16xf32>
      %add3A_269 = arith.addf %add3A_230, %div3A_268 : vector<16xf32>
      %add3A_270 = arith.addf %add3A_231, %mul3A_264 : vector<16xf32>
      %add3A_271 = arith.constant 1.600000e+01 : f32
      %add3A_272 = vector.broadcast %add3A_271 : f32 to vector<16xf32>
      %add3A_273 = arith.addf %add3A_234, %add3A_272 : vector<16xf32>
      %scan3A_274 = arith.constant 5 : i32
      %scan3A_275 = arith.addi %scan3A_79, %scan3A_274 : i32
      %mul3A_276 = arith.constant 16 : i32
      %mul3A_277 = arith.muli %scan3A_275, %mul3A_276 : i32
      %get3A_278 = arith.index_cast %mul3A_277 : i32 to index
      %get3A_279 = tpu.vector_load %arg4[%get3A_278] {strides = array<i32>} : memref<15632xf32, #tpu.memory_space<vmem>>, vector<16xf32>,
      %get3A_280 = vector.shape_cast %get3A_279 : vector<16xf32> to vector<16xf32>
      %add3A_281 = arith.constant 1 : i32
      %add3A_282 = arith.addi %mul3A_277, %add3A_281 : i32
      %get3A_283 = arith.index_cast %add3A_282 : i32 to index
      %get3A_284 = tpu.vector_load %arg4[%get3A_283] {strides = array<i32>} : memref<15632xf32, #tpu.memory_space<vmem>>, vector<16xf32>,
      %get3A_285 = vector.shape_cast %get3A_284 : vector<16xf32> to vector<16xf32>
      %mul3A_286 = arith.constant 1.00000102E-6 : f32
      %mul3A_287 = vector.broadcast %mul3A_286 : f32 to vector<16xf32>
      %mul3A_288 = arith.mulf %add3A_273, %mul3A_287 : vector<16xf32>
      %add3A_289 = arith.constant 1.000000e+00 : f32
      %add3A_290 = vector.broadcast %add3A_289 : f32 to vector<16xf32>
      %add3A_291 = arith.addf %add3A_273, %add3A_290 : vector<16xf32>
      %mul3A_292 = arith.constant 1.00000102E-6 : f32
      %mul3A_293 = vector.broadcast %mul3A_292 : f32 to vector<16xf32>
      %mul3A_294 = arith.mulf %add3A_291, %mul3A_293 : vector<16xf32>
      %sub3A_295 = arith.subf %mul3A_294, %mul3A_288 : vector<16xf32>
      %mul3A_296 = arith.constant 0.899999976 : f32
      %mul3A_297 = vector.broadcast %mul3A_296 : f32 to vector<16xf32>
      %mul3A_298 = arith.mulf %mul3A_297, %sub3A_295 : vector<16xf32>
      %sub3A_299 = arith.subf %get3A_280, %get3A_285 : vector<16xf32>
      %max3A_300 = arith.constant 0.000000e+00 : f32
      %max3A_301 = vector.broadcast %max3A_300 : f32 to vector<16xf32>
      %max3A_302 = arith.maximumf %sub3A_299, %max3A_301 : vector<16xf32>
      %mul3A_303 = arith.mulf %max3A_302, %mul3A_298 : vector<16xf32>
      %add3A_304 = arith.constant 9.99999997E-7 : f32
      %add3A_305 = vector.broadcast %add3A_304 : f32 to vector<16xf32>
      %add3A_306 = arith.addf %mul3A_298, %add3A_305 : vector<16xf32>
      %div3A_307 = arith.divf %mul3A_303, %add3A_306 : vector<16xf32>
      %add3A_308 = arith.addf %add3A_269, %div3A_307 : vector<16xf32>
      %add3A_309 = arith.addf %add3A_270, %mul3A_303 : vector<16xf32>
      %add3A_310 = arith.constant 1.600000e+01 : f32
      %add3A_311 = vector.broadcast %add3A_310 : f32 to vector<16xf32>
      %add3A_312 = arith.addf %add3A_273, %add3A_311 : vector<16xf32>
      %scan3A_313 = arith.constant 6 : i32
      %scan3A_314 = arith.addi %scan3A_79, %scan3A_313 : i32
      %mul3A_315 = arith.constant 16 : i32
      %mul3A_316 = arith.muli %scan3A_314, %mul3A_315 : i32
      %get3A_317 = arith.index_cast %mul3A_316 : i32 to index
      %get3A_318 = tpu.vector_load %arg4[%get3A_317] {strides = array<i32>} : memref<15632xf32, #tpu.memory_space<vmem>>, vector<16xf32>,
      %get3A_319 = vector.shape_cast %get3A_318 : vector<16xf32> to vector<16xf32>
      %add3A_320 = arith.constant 1 : i32
      %add3A_321 = arith.addi %mul3A_316, %add3A_320 : i32
      %get3A_322 = arith.index_cast %add3A_321 : i32 to index
      %get3A_323 = tpu.vector_load %arg4[%get3A_322] {strides = array<i32>} : memref<15632xf32, #tpu.memory_space<vmem>>, vector<16xf32>,
      %get3A_324 = vector.shape_cast %get3A_323 : vector<16xf32> to vector<16xf32>
      %mul3A_325 = arith.constant 1.00000102E-6 : f32
      %mul3A_326 = vector.broadcast %mul3A_325 : f32 to vector<16xf32>
      %mul3A_327 = arith.mulf %add3A_312, %mul3A_326 : vector<16xf32>
      %add3A_328 = arith.constant 1.000000e+00 : f32
      %add3A_329 = vector.broadcast %add3A_328 : f32 to vector<16xf32>
      %add3A_330 = arith.addf %add3A_312, %add3A_329 : vector<16xf32>
      %mul3A_331 = arith.constant 1.00000102E-6 : f32
      %mul3A_332 = vector.broadcast %mul3A_331 : f32 to vector<16xf32>
      %mul3A_333 = arith.mulf %add3A_330, %mul3A_332 : vector<16xf32>
      %sub3A_334 = arith.subf %mul3A_333, %mul3A_327 : vector<16xf32>
      %mul3A_335 = arith.constant 0.899999976 : f32
      %mul3A_336 = vector.broadcast %mul3A_335 : f32 to vector<16xf32>
      %mul3A_337 = arith.mulf %mul3A_336, %sub3A_334 : vector<16xf32>
      %sub3A_338 = arith.subf %get3A_319, %get3A_324 : vector<16xf32>
      %max3A_339 = arith.constant 0.000000e+00 : f32
      %max3A_340 = vector.broadcast %max3A_339 : f32 to vector<16xf32>
      %max3A_341 = arith.maximumf %sub3A_338, %max3A_340 : vector<16xf32>
      %mul3A_342 = arith.mulf %max3A_341, %mul3A_337 : vector<16xf32>
      %add3A_343 = arith.constant 9.99999997E-7 : f32
      %add3A_344 = vector.broadcast %add3A_343 : f32 to vector<16xf32>
      %add3A_345 = arith.addf %mul3A_337, %add3A_344 : vector<16xf32>
      %div3A_346 = arith.divf %mul3A_342, %add3A_345 : vector<16xf32>
      %add3A_347 = arith.addf %add3A_308, %div3A_346 : vector<16xf32>
      %add3A_348 = arith.addf %add3A_309, %mul3A_342 : vector<16xf32>
      %add3A_349 = arith.constant 1.600000e+01 : f32
      %add3A_350 = vector.broadcast %add3A_349 : f32 to vector<16xf32>
      %add3A_351 = arith.addf %add3A_312, %add3A_350 : vector<16xf32>
      %scan3A_352 = arith.constant 7 : i32
      %scan3A_353 = arith.addi %scan3A_79, %scan3A_352 : i32
      %mul3A_354 = arith.constant 16 : i32
      %mul3A_355 = arith.muli %scan3A_353, %mul3A_354 : i32
      %get3A_356 = arith.index_cast %mul3A_355 : i32 to index
      %get3A_357 = tpu.vector_load %arg4[%get3A_356] {strides = array<i32>} : memref<15632xf32, #tpu.memory_space<vmem>>, vector<16xf32>,
      %get3A_358 = vector.shape_cast %get3A_357 : vector<16xf32> to vector<16xf32>
      %add3A_359 = arith.constant 1 : i32
      %add3A_360 = arith.addi %mul3A_355, %add3A_359 : i32
      %get3A_361 = arith.index_cast %add3A_360 : i32 to index
      %get3A_362 = tpu.vector_load %arg4[%get3A_361] {strides = array<i32>} : memref<15632xf32, #tpu.memory_space<vmem>>, vector<16xf32>,
      %get3A_363 = vector.shape_cast %get3A_362 : vector<16xf32> to vector<16xf32>
      %mul3A_364 = arith.constant 1.00000102E-6 : f32
      %mul3A_365 = vector.broadcast %mul3A_364 : f32 to vector<16xf32>
      %mul3A_366 = arith.mulf %add3A_351, %mul3A_365 : vector<16xf32>
      %add3A_367 = arith.constant 1.000000e+00 : f32
      %add3A_368 = vector.broadcast %add3A_367 : f32 to vector<16xf32>
      %add3A_369 = arith.addf %add3A_351, %add3A_368 : vector<16xf32>
      %mul3A_370 = arith.constant 1.00000102E-6 : f32
      %mul3A_371 = vector.broadcast %mul3A_370 : f32 to vector<16xf32>
      %mul3A_372 = arith.mulf %add3A_369, %mul3A_371 : vector<16xf32>
      %sub3A_373 = arith.subf %mul3A_372, %mul3A_366 : vector<16xf32>
      %mul3A_374 = arith.constant 0.899999976 : f32
      %mul3A_375 = vector.broadcast %mul3A_374 : f32 to vector<16xf32>
      %mul3A_376 = arith.mulf %mul3A_375, %sub3A_373 : vector<16xf32>
      %sub3A_377 = arith.subf %get3A_358, %get3A_363 : vector<16xf32>
      %max3A_378 = arith.constant 0.000000e+00 : f32
      %max3A_379 = vector.broadcast %max3A_378 : f32 to vector<16xf32>
      %max3A_380 = arith.maximumf %sub3A_377, %max3A_379 : vector<16xf32>
      %mul3A_381 = arith.mulf %max3A_380, %mul3A_376 : vector<16xf32>
      %add3A_382 = arith.constant 9.99999997E-7 : f32
      %add3A_383 = vector.broadcast %add3A_382 : f32 to vector<16xf32>
      %add3A_384 = arith.addf %mul3A_376, %add3A_383 : vector<16xf32>
      %div3A_385 = arith.divf %mul3A_381, %add3A_384 : vector<16xf32>
      %add3A_386 = arith.addf %add3A_347, %div3A_385 : vector<16xf32>
      %add3A_387 = arith.addf %add3A_348, %mul3A_381 : vector<16xf32>
      %add3A_388 = arith.constant 1.600000e+01 : f32
      %add3A_389 = vector.broadcast %add3A_388 : f32 to vector<16xf32>
      %add3A_390 = arith.addf %add3A_351, %add3A_389 : vector<16xf32>
      %scan3A_391 = arith.constant 8 : i32
      %scan3A_392 = arith.addi %scan3A_79, %scan3A_391 : i32
      %mul3A_393 = arith.constant 16 : i32
      %mul3A_394 = arith.muli %scan3A_392, %mul3A_393 : i32
      %get3A_395 = arith.index_cast %mul3A_394 : i32 to index
      %get3A_396 = tpu.vector_load %arg4[%get3A_395] {strides = array<i32>} : memref<15632xf32, #tpu.memory_space<vmem>>, vector<16xf32>,
      %get3A_397 = vector.shape_cast %get3A_396 : vector<16xf32> to vector<16xf32>
      %add3A_398 = arith.constant 1 : i32
      %add3A_399 = arith.addi %mul3A_394, %add3A_398 : i32
      %get3A_400 = arith.index_cast %add3A_399 : i32 to index
      %get3A_401 = tpu.vector_load %arg4[%get3A_400] {strides = array<i32>} : memref<15632xf32, #tpu.memory_space<vmem>>, vector<16xf32>,
      %get3A_402 = vector.shape_cast %get3A_401 : vector<16xf32> to vector<16xf32>
      %mul3A_403 = arith.constant 1.00000102E-6 : f32
      %mul3A_404 = vector.broadcast %mul3A_403 : f32 to vector<16xf32>
      %mul3A_405 = arith.mulf %add3A_390, %mul3A_404 : vector<16xf32>
      %add3A_406 = arith.constant 1.000000e+00 : f32
      %add3A_407 = vector.broadcast %add3A_406 : f32 to vector<16xf32>
      %add3A_408 = arith.addf %add3A_390, %add3A_407 : vector<16xf32>
      %mul3A_409 = arith.constant 1.00000102E-6 : f32
      %mul3A_410 = vector.broadcast %mul3A_409 : f32 to vector<16xf32>
      %mul3A_411 = arith.mulf %add3A_408, %mul3A_410 : vector<16xf32>
      %sub3A_412 = arith.subf %mul3A_411, %mul3A_405 : vector<16xf32>
      %mul3A_413 = arith.constant 0.899999976 : f32
      %mul3A_414 = vector.broadcast %mul3A_413 : f32 to vector<16xf32>
      %mul3A_415 = arith.mulf %mul3A_414, %sub3A_412 : vector<16xf32>
      %sub3A_416 = arith.subf %get3A_397, %get3A_402 : vector<16xf32>
      %max3A_417 = arith.constant 0.000000e+00 : f32
      %max3A_418 = vector.broadcast %max3A_417 : f32 to vector<16xf32>
      %max3A_419 = arith.maximumf %sub3A_416, %max3A_418 : vector<16xf32>
      %mul3A_420 = arith.mulf %max3A_419, %mul3A_415 : vector<16xf32>
      %add3A_421 = arith.constant 9.99999997E-7 : f32
      %add3A_422 = vector.broadcast %add3A_421 : f32 to vector<16xf32>
      %add3A_423 = arith.addf %mul3A_415, %add3A_422 : vector<16xf32>
      %div3A_424 = arith.divf %mul3A_420, %add3A_423 : vector<16xf32>
      %add3A_425 = arith.addf %add3A_386, %div3A_424 : vector<16xf32>
      %add3A_426 = arith.addf %add3A_387, %mul3A_420 : vector<16xf32>
      %add3A_427 = arith.constant 1.600000e+01 : f32
      %add3A_428 = vector.broadcast %add3A_427 : f32 to vector<16xf32>
      %add3A_429 = arith.addf %add3A_390, %add3A_428 : vector<16xf32>
      %scan3A_430 = arith.constant 9 : i32
      %scan3A_431 = arith.addi %scan3A_79, %scan3A_430 : i32
      %mul3A_432 = arith.constant 16 : i32
      %mul3A_433 = arith.muli %scan3A_431, %mul3A_432 : i32
      %get3A_434 = arith.index_cast %mul3A_433 : i32 to index
      %get3A_435 = tpu.vector_load %arg4[%get3A_434] {strides = array<i32>} : memref<15632xf32, #tpu.memory_space<vmem>>, vector<16xf32>,
      %get3A_436 = vector.shape_cast %get3A_435 : vector<16xf32> to vector<16xf32>
      %add3A_437 = arith.constant 1 : i32
      %add3A_438 = arith.addi %mul3A_433, %add3A_437 : i32
      %get3A_439 = arith.index_cast %add3A_438 : i32 to index
      %get3A_440 = tpu.vector_load %arg4[%get3A_439] {strides = array<i32>} : memref<15632xf32, #tpu.memory_space<vmem>>, vector<16xf32>,
      %get3A_441 = vector.shape_cast %get3A_440 : vector<16xf32> to vector<16xf32>
      %mul3A_442 = arith.constant 1.00000102E-6 : f32
      %mul3A_443 = vector.broadcast %mul3A_442 : f32 to vector<16xf32>
      %mul3A_444 = arith.mulf %add3A_429, %mul3A_443 : vector<16xf32>
      %add3A_445 = arith.constant 1.000000e+00 : f32
      %add3A_446 = vector.broadcast %add3A_445 : f32 to vector<16xf32>
      %add3A_447 = arith.addf %add3A_429, %add3A_446 : vector<16xf32>
      %mul3A_448 = arith.constant 1.00000102E-6 : f32
      %mul3A_449 = vector.broadcast %mul3A_448 : f32 to vector<16xf32>
      %mul3A_450 = arith.mulf %add3A_447, %mul3A_449 : vector<16xf32>
      %sub3A_451 = arith.subf %mul3A_450, %mul3A_444 : vector<16xf32>
      %mul3A_452 = arith.constant 0.899999976 : f32
      %mul3A_453 = vector.broadcast %mul3A_452 : f32 to vector<16xf32>
      %mul3A_454 = arith.mulf %mul3A_453, %sub3A_451 : vector<16xf32>
      %sub3A_455 = arith.subf %get3A_436, %get3A_441 : vector<16xf32>
      %max3A_456 = arith.constant 0.000000e+00 : f32
      %max3A_457 = vector.broadcast %max3A_456 : f32 to vector<16xf32>
      %max3A_458 = arith.maximumf %sub3A_455, %max3A_457 : vector<16xf32>
      %mul3A_459 = arith.mulf %max3A_458, %mul3A_454 : vector<16xf32>
      %add3A_460 = arith.constant 9.99999997E-7 : f32
      %add3A_461 = vector.broadcast %add3A_460 : f32 to vector<16xf32>
      %add3A_462 = arith.addf %mul3A_454, %add3A_461 : vector<16xf32>
      %div3A_463 = arith.divf %mul3A_459, %add3A_462 : vector<16xf32>
      %add3A_464 = arith.addf %add3A_425, %div3A_463 : vector<16xf32>
      %add3A_465 = arith.addf %add3A_426, %mul3A_459 : vector<16xf32>
      %add3A_466 = arith.constant 1.600000e+01 : f32
      %add3A_467 = vector.broadcast %add3A_466 : f32 to vector<16xf32>
      %add3A_468 = arith.addf %add3A_429, %add3A_467 : vector<16xf32>
      %scan3A_469 = arith.constant 10 : i32
      %scan3A_470 = arith.addi %scan3A_79, %scan3A_469 : i32
      %mul3A_471 = arith.constant 16 : i32
      %mul3A_472 = arith.muli %scan3A_470, %mul3A_471 : i32
      %get3A_473 = arith.index_cast %mul3A_472 : i32 to index
      %get3A_474 = tpu.vector_load %arg4[%get3A_473] {strides = array<i32>} : memref<15632xf32, #tpu.memory_space<vmem>>, vector<16xf32>,
      %get3A_475 = vector.shape_cast %get3A_474 : vector<16xf32> to vector<16xf32>
      %add3A_476 = arith.constant 1 : i32
      %add3A_477 = arith.addi %mul3A_472, %add3A_476 : i32
      %get3A_478 = arith.index_cast %add3A_477 : i32 to index
      %get3A_479 = tpu.vector_load %arg4[%get3A_478] {strides = array<i32>} : memref<15632xf32, #tpu.memory_space<vmem>>, vector<16xf32>,
      %get3A_480 = vector.shape_cast %get3A_479 : vector<16xf32> to vector<16xf32>
      %mul3A_481 = arith.constant 1.00000102E-6 : f32
      %mul3A_482 = vector.broadcast %mul3A_481 : f32 to vector<16xf32>
      %mul3A_483 = arith.mulf %add3A_468, %mul3A_482 : vector<16xf32>
      %add3A_484 = arith.constant 1.000000e+00 : f32
      %add3A_485 = vector.broadcast %add3A_484 : f32 to vector<16xf32>
      %add3A_486 = arith.addf %add3A_468, %add3A_485 : vector<16xf32>
      %mul3A_487 = arith.constant 1.00000102E-6 : f32
      %mul3A_488 = vector.broadcast %mul3A_487 : f32 to vector<16xf32>
      %mul3A_489 = arith.mulf %add3A_486, %mul3A_488 : vector<16xf32>
      %sub3A_490 = arith.subf %mul3A_489, %mul3A_483 : vector<16xf32>
      %mul3A_491 = arith.constant 0.899999976 : f32
      %mul3A_492 = vector.broadcast %mul3A_491 : f32 to vector<16xf32>
      %mul3A_493 = arith.mulf %mul3A_492, %sub3A_490 : vector<16xf32>
      %sub3A_494 = arith.subf %get3A_475, %get3A_480 : vector<16xf32>
      %max3A_495 = arith.constant 0.000000e+00 : f32
      %max3A_496 = vector.broadcast %max3A_495 : f32 to vector<16xf32>
      %max3A_497 = arith.maximumf %sub3A_494, %max3A_496 : vector<16xf32>
      %mul3A_498 = arith.mulf %max3A_497, %mul3A_493 : vector<16xf32>
      %add3A_499 = arith.constant 9.99999997E-7 : f32
      %add3A_500 = vector.broadcast %add3A_499 : f32 to vector<16xf32>
      %add3A_501 = arith.addf %mul3A_493, %add3A_500 : vector<16xf32>
      %div3A_502 = arith.divf %mul3A_498, %add3A_501 : vector<16xf32>
      %add3A_503 = arith.addf %add3A_464, %div3A_502 : vector<16xf32>
      %add3A_504 = arith.addf %add3A_465, %mul3A_498 : vector<16xf32>
      %add3A_505 = arith.constant 1.600000e+01 : f32
      %add3A_506 = vector.broadcast %add3A_505 : f32 to vector<16xf32>
      %add3A_507 = arith.addf %add3A_468, %add3A_506 : vector<16xf32>
      %scan3A_508 = arith.constant 11 : i32
      %scan3A_509 = arith.addi %scan3A_79, %scan3A_508 : i32
      %mul3A_510 = arith.constant 16 : i32
      %mul3A_511 = arith.muli %scan3A_509, %mul3A_510 : i32
      %get3A_512 = arith.index_cast %mul3A_511 : i32 to index
      %get3A_513 = tpu.vector_load %arg4[%get3A_512] {strides = array<i32>} : memref<15632xf32, #tpu.memory_space<vmem>>, vector<16xf32>,
      %get3A_514 = vector.shape_cast %get3A_513 : vector<16xf32> to vector<16xf32>
      %add3A_515 = arith.constant 1 : i32
      %add3A_516 = arith.addi %mul3A_511, %add3A_515 : i32
      %get3A_517 = arith.index_cast %add3A_516 : i32 to index
      %get3A_518 = tpu.vector_load %arg4[%get3A_517] {strides = array<i32>} : memref<15632xf32, #tpu.memory_space<vmem>>, vector<16xf32>,
      %get3A_519 = vector.shape_cast %get3A_518 : vector<16xf32> to vector<16xf32>
      %mul3A_520 = arith.constant 1.00000102E-6 : f32
      %mul3A_521 = vector.broadcast %mul3A_520 : f32 to vector<16xf32>
      %mul3A_522 = arith.mulf %add3A_507, %mul3A_521 : vector<16xf32>
      %add3A_523 = arith.constant 1.000000e+00 : f32
      %add3A_524 = vector.broadcast %add3A_523 : f32 to vector<16xf32>
      %add3A_525 = arith.addf %add3A_507, %add3A_524 : vector<16xf32>
      %mul3A_526 = arith.constant 1.00000102E-6 : f32
      %mul3A_527 = vector.broadcast %mul3A_526 : f32 to vector<16xf32>
      %mul3A_528 = arith.mulf %add3A_525, %mul3A_527 : vector<16xf32>
      %sub3A_529 = arith.subf %mul3A_528, %mul3A_522 : vector<16xf32>
      %mul3A_530 = arith.constant 0.899999976 : f32
      %mul3A_531 = vector.broadcast %mul3A_530 : f32 to vector<16xf32>
      %mul3A_532 = arith.mulf %mul3A_531, %sub3A_529 : vector<16xf32>
      %sub3A_533 = arith.subf %get3A_514, %get3A_519 : vector<16xf32>
      %max3A_534 = arith.constant 0.000000e+00 : f32
      %max3A_535 = vector.broadcast %max3A_534 : f32 to vector<16xf32>
      %max3A_536 = arith.maximumf %sub3A_533, %max3A_535 : vector<16xf32>
      %mul3A_537 = arith.mulf %max3A_536, %mul3A_532 : vector<16xf32>
      %add3A_538 = arith.constant 9.99999997E-7 : f32
      %add3A_539 = vector.broadcast %add3A_538 : f32 to vector<16xf32>
      %add3A_540 = arith.addf %mul3A_532, %add3A_539 : vector<16xf32>
      %div3A_541 = arith.divf %mul3A_537, %add3A_540 : vector<16xf32>
      %add3A_542 = arith.addf %add3A_503, %div3A_541 : vector<16xf32>
      %add3A_543 = arith.addf %add3A_504, %mul3A_537 : vector<16xf32>
      %add3A_544 = arith.constant 1.600000e+01 : f32
      %add3A_545 = vector.broadcast %add3A_544 : f32 to vector<16xf32>
      %add3A_546 = arith.addf %add3A_507, %add3A_545 : vector<16xf32>
      %scan3A_547 = arith.constant 12 : i32
      %scan3A_548 = arith.addi %scan3A_79, %scan3A_547 : i32
      %mul3A_549 = arith.constant 16 : i32
      %mul3A_550 = arith.muli %scan3A_548, %mul3A_549 : i32
      %get3A_551 = arith.index_cast %mul3A_550 : i32 to index
      %get3A_552 = tpu.vector_load %arg4[%get3A_551] {strides = array<i32>} : memref<15632xf32, #tpu.memory_space<vmem>>, vector<16xf32>,
      %get3A_553 = vector.shape_cast %get3A_552 : vector<16xf32> to vector<16xf32>
      %add3A_554 = arith.constant 1 : i32
      %add3A_555 = arith.addi %mul3A_550, %add3A_554 : i32
      %get3A_556 = arith.index_cast %add3A_555 : i32 to index
      %get3A_557 = tpu.vector_load %arg4[%get3A_556] {strides = array<i32>} : memref<15632xf32, #tpu.memory_space<vmem>>, vector<16xf32>,
      %get3A_558 = vector.shape_cast %get3A_557 : vector<16xf32> to vector<16xf32>
      %mul3A_559 = arith.constant 1.00000102E-6 : f32
      %mul3A_560 = vector.broadcast %mul3A_559 : f32 to vector<16xf32>
      %mul3A_561 = arith.mulf %add3A_546, %mul3A_560 : vector<16xf32>
      %add3A_562 = arith.constant 1.000000e+00 : f32
      %add3A_563 = vector.broadcast %add3A_562 : f32 to vector<16xf32>
      %add3A_564 = arith.addf %add3A_546, %add3A_563 : vector<16xf32>
      %mul3A_565 = arith.constant 1.00000102E-6 : f32
      %mul3A_566 = vector.broadcast %mul3A_565 : f32 to vector<16xf32>
      %mul3A_567 = arith.mulf %add3A_564, %mul3A_566 : vector<16xf32>
      %sub3A_568 = arith.subf %mul3A_567, %mul3A_561 : vector<16xf32>
      %mul3A_569 = arith.constant 0.899999976 : f32
      %mul3A_570 = vector.broadcast %mul3A_569 : f32 to vector<16xf32>
      %mul3A_571 = arith.mulf %mul3A_570, %sub3A_568 : vector<16xf32>
      %sub3A_572 = arith.subf %get3A_553, %get3A_558 : vector<16xf32>
      %max3A_573 = arith.constant 0.000000e+00 : f32
      %max3A_574 = vector.broadcast %max3A_573 : f32 to vector<16xf32>
      %max3A_575 = arith.maximumf %sub3A_572, %max3A_574 : vector<16xf32>
      %mul3A_576 = arith.mulf %max3A_575, %mul3A_571 : vector<16xf32>
      %add3A_577 = arith.constant 9.99999997E-7 : f32
      %add3A_578 = vector.broadcast %add3A_577 : f32 to vector<16xf32>
      %add3A_579 = arith.addf %mul3A_571, %add3A_578 : vector<16xf32>
      %div3A_580 = arith.divf %mul3A_576, %add3A_579 : vector<16xf32>
      %add3A_581 = arith.addf %add3A_542, %div3A_580 : vector<16xf32>
      %add3A_582 = arith.addf %add3A_543, %mul3A_576 : vector<16xf32>
      %add3A_583 = arith.constant 1.600000e+01 : f32
      %add3A_584 = vector.broadcast %add3A_583 : f32 to vector<16xf32>
      %add3A_585 = arith.addf %add3A_546, %add3A_584 : vector<16xf32>
      %scan3A_586 = arith.constant 13 : i32
      %scan3A_587 = arith.addi %scan3A_79, %scan3A_586 : i32
      %mul3A_588 = arith.constant 16 : i32
      %mul3A_589 = arith.muli %scan3A_587, %mul3A_588 : i32
      %get3A_590 = arith.index_cast %mul3A_589 : i32 to index
      %get3A_591 = tpu.vector_load %arg4[%get3A_590] {strides = array<i32>} : memref<15632xf32, #tpu.memory_space<vmem>>, vector<16xf32>,
      %get3A_592 = vector.shape_cast %get3A_591 : vector<16xf32> to vector<16xf32>
      %add3A_593 = arith.constant 1 : i32
      %add3A_594 = arith.addi %mul3A_589, %add3A_593 : i32
      %get3A_595 = arith.index_cast %add3A_594 : i32 to index
      %get3A_596 = tpu.vector_load %arg4[%get3A_595] {strides = array<i32>} : memref<15632xf32, #tpu.memory_space<vmem>>, vector<16xf32>,
      %get3A_597 = vector.shape_cast %get3A_596 : vector<16xf32> to vector<16xf32>
      %mul3A_598 = arith.constant 1.00000102E-6 : f32
      %mul3A_599 = vector.broadcast %mul3A_598 : f32 to vector<16xf32>
      %mul3A_600 = arith.mulf %add3A_585, %mul3A_599 : vector<16xf32>
      %add3A_601 = arith.constant 1.000000e+00 : f32
      %add3A_602 = vector.broadcast %add3A_601 : f32 to vector<16xf32>
      %add3A_603 = arith.addf %add3A_585, %add3A_602 : vector<16xf32>
      %mul3A_604 = arith.constant 1.00000102E-6 : f32
      %mul3A_605 = vector.broadcast %mul3A_604 : f32 to vector<16xf32>
      %mul3A_606 = arith.mulf %add3A_603, %mul3A_605 : vector<16xf32>
      %sub3A_607 = arith.subf %mul3A_606, %mul3A_600 : vector<16xf32>
      %mul3A_608 = arith.constant 0.899999976 : f32
      %mul3A_609 = vector.broadcast %mul3A_608 : f32 to vector<16xf32>
      %mul3A_610 = arith.mulf %mul3A_609, %sub3A_607 : vector<16xf32>
      %sub3A_611 = arith.subf %get3A_592, %get3A_597 : vector<16xf32>
      %max3A_612 = arith.constant 0.000000e+00 : f32
      %max3A_613 = vector.broadcast %max3A_612 : f32 to vector<16xf32>
      %max3A_614 = arith.maximumf %sub3A_611, %max3A_613 : vector<16xf32>
      %mul3A_615 = arith.mulf %max3A_614, %mul3A_610 : vector<16xf32>
      %add3A_616 = arith.constant 9.99999997E-7 : f32
      %add3A_617 = vector.broadcast %add3A_616 : f32 to vector<16xf32>
      %add3A_618 = arith.addf %mul3A_610, %add3A_617 : vector<16xf32>
      %div3A_619 = arith.divf %mul3A_615, %add3A_618 : vector<16xf32>
      %add3A_620 = arith.addf %add3A_581, %div3A_619 : vector<16xf32>
      %add3A_621 = arith.addf %add3A_582, %mul3A_615 : vector<16xf32>
      %add3A_622 = arith.constant 1.600000e+01 : f32
      %add3A_623 = vector.broadcast %add3A_622 : f32 to vector<16xf32>
      %add3A_624 = arith.addf %add3A_585, %add3A_623 : vector<16xf32>
      %scan3A_625 = arith.constant 14 : i32
      %scan3A_626 = arith.addi %scan3A_79, %scan3A_625 : i32
      %mul3A_627 = arith.constant 16 : i32
      %mul3A_628 = arith.muli %scan3A_626, %mul3A_627 : i32
      %get3A_629 = arith.index_cast %mul3A_628 : i32 to index
      %get3A_630 = tpu.vector_load %arg4[%get3A_629] {strides = array<i32>} : memref<15632xf32, #tpu.memory_space<vmem>>, vector<16xf32>,
      %get3A_631 = vector.shape_cast %get3A_630 : vector<16xf32> to vector<16xf32>
      %add3A_632 = arith.constant 1 : i32
      %add3A_633 = arith.addi %mul3A_628, %add3A_632 : i32
      %get3A_634 = arith.index_cast %add3A_633 : i32 to index
      %get3A_635 = tpu.vector_load %arg4[%get3A_634] {strides = array<i32>} : memref<15632xf32, #tpu.memory_space<vmem>>, vector<16xf32>,
      %get3A_636 = vector.shape_cast %get3A_635 : vector<16xf32> to vector<16xf32>
      %mul3A_637 = arith.constant 1.00000102E-6 : f32
      %mul3A_638 = vector.broadcast %mul3A_637 : f32 to vector<16xf32>
      %mul3A_639 = arith.mulf %add3A_624, %mul3A_638 : vector<16xf32>
      %add3A_640 = arith.constant 1.000000e+00 : f32
      %add3A_641 = vector.broadcast %add3A_640 : f32 to vector<16xf32>
      %add3A_642 = arith.addf %add3A_624, %add3A_641 : vector<16xf32>
      %mul3A_643 = arith.constant 1.00000102E-6 : f32
      %mul3A_644 = vector.broadcast %mul3A_643 : f32 to vector<16xf32>
      %mul3A_645 = arith.mulf %add3A_642, %mul3A_644 : vector<16xf32>
      %sub3A_646 = arith.subf %mul3A_645, %mul3A_639 : vector<16xf32>
      %mul3A_647 = arith.constant 0.899999976 : f32
      %mul3A_648 = vector.broadcast %mul3A_647 : f32 to vector<16xf32>
      %mul3A_649 = arith.mulf %mul3A_648, %sub3A_646 : vector<16xf32>
      %sub3A_650 = arith.subf %get3A_631, %get3A_636 : vector<16xf32>
      %max3A_651 = arith.constant 0.000000e+00 : f32
      %max3A_652 = vector.broadcast %max3A_651 : f32 to vector<16xf32>
      %max3A_653 = arith.maximumf %sub3A_650, %max3A_652 : vector<16xf32>
      %mul3A_654 = arith.mulf %max3A_653, %mul3A_649 : vector<16xf32>
      %add3A_655 = arith.constant 9.99999997E-7 : f32
      %add3A_656 = vector.broadcast %add3A_655 : f32 to vector<16xf32>
      %add3A_657 = arith.addf %mul3A_649, %add3A_656 : vector<16xf32>
      %div3A_658 = arith.divf %mul3A_654, %add3A_657 : vector<16xf32>
      %add3A_659 = arith.addf %add3A_620, %div3A_658 : vector<16xf32>
      %add3A_660 = arith.addf %add3A_621, %mul3A_654 : vector<16xf32>
      %add3A_661 = arith.constant 1.600000e+01 : f32
      %add3A_662 = vector.broadcast %add3A_661 : f32 to vector<16xf32>
      %add3A_663 = arith.addf %add3A_624, %add3A_662 : vector<16xf32>
      %scan3A_664 = arith.constant 15 : i32
      %scan3A_665 = arith.addi %scan3A_79, %scan3A_664 : i32
      %mul3A_666 = arith.constant 16 : i32
      %mul3A_667 = arith.muli %scan3A_665, %mul3A_666 : i32
      %get3A_668 = arith.index_cast %mul3A_667 : i32 to index
      %get3A_669 = tpu.vector_load %arg4[%get3A_668] {strides = array<i32>} : memref<15632xf32, #tpu.memory_space<vmem>>, vector<16xf32>,
      %get3A_670 = vector.shape_cast %get3A_669 : vector<16xf32> to vector<16xf32>
      %add3A_671 = arith.constant 1 : i32
      %add3A_672 = arith.addi %mul3A_667, %add3A_671 : i32
      %get3A_673 = arith.index_cast %add3A_672 : i32 to index
      %get3A_674 = tpu.vector_load %arg4[%get3A_673] {strides = array<i32>} : memref<15632xf32, #tpu.memory_space<vmem>>, vector<16xf32>,
      %get3A_675 = vector.shape_cast %get3A_674 : vector<16xf32> to vector<16xf32>
      %mul3A_676 = arith.constant 1.00000102E-6 : f32
      %mul3A_677 = vector.broadcast %mul3A_676 : f32 to vector<16xf32>
      %mul3A_678 = arith.mulf %add3A_663, %mul3A_677 : vector<16xf32>
      %add3A_679 = arith.constant 1.000000e+00 : f32
      %add3A_680 = vector.broadcast %add3A_679 : f32 to vector<16xf32>
      %add3A_681 = arith.addf %add3A_663, %add3A_680 : vector<16xf32>
      %mul3A_682 = arith.constant 1.00000102E-6 : f32
      %mul3A_683 = vector.broadcast %mul3A_682 : f32 to vector<16xf32>
      %mul3A_684 = arith.mulf %add3A_681, %mul3A_683 : vector<16xf32>
      %sub3A_685 = arith.subf %mul3A_684, %mul3A_678 : vector<16xf32>
      %mul3A_686 = arith.constant 0.899999976 : f32
      %mul3A_687 = vector.broadcast %mul3A_686 : f32 to vector<16xf32>
      %mul3A_688 = arith.mulf %mul3A_687, %sub3A_685 : vector<16xf32>
      %sub3A_689 = arith.subf %get3A_670, %get3A_675 : vector<16xf32>
      %max3A_690 = arith.constant 0.000000e+00 : f32
      %max3A_691 = vector.broadcast %max3A_690 : f32 to vector<16xf32>
      %max3A_692 = arith.maximumf %sub3A_689, %max3A_691 : vector<16xf32>
      %mul3A_693 = arith.mulf %max3A_692, %mul3A_688 : vector<16xf32>
      %add3A_694 = arith.constant 9.99999997E-7 : f32
      %add3A_695 = vector.broadcast %add3A_694 : f32 to vector<16xf32>
      %add3A_696 = arith.addf %mul3A_688, %add3A_695 : vector<16xf32>
      %div3A_697 = arith.divf %mul3A_693, %add3A_696 : vector<16xf32>
      %add3A_698 = arith.addf %add3A_659, %div3A_697 : vector<16xf32>
      %add3A_699 = arith.addf %add3A_660, %mul3A_693 : vector<16xf32>
      %add3A_700 = arith.constant 1.600000e+01 : f32
      %add3A_701 = vector.broadcast %add3A_700 : f32 to vector<16xf32>
      %add3A_702 = arith.addf %add3A_663, %add3A_701 : vector<16xf32>
      scf.yield %add3A_698, %add3A_699, %add3A_702 : vector<16xf32>, vector<16xf32>, vector<16xf32>
    }
    %scan3A_36 = arith.constant 976 : i32
    %dma_wait3A_37 = tpu.memref_slice %arg2[%add3A_7] : memref<1000000xf32, #tpu.memory_space<hbm>> -> memref<15632xf32, #tpu.memory_space<hbm>>
    %dma_wait3A_38 = tpu.memref_slice %arg2[%add3A_7] : memref<1000000xf32, #tpu.memory_space<hbm>> -> memref<15632xf32, #tpu.memory_space<hbm>>
    tpu.wait_dma2 semaphore(%arg9 : memref<!tpu.dma_semaphore, #tpu.memory_space<semaphore_mem>>) src(%dma_wait3A_38 : memref<15632xf32, #tpu.memory_space<hbm>>) dst(%arg5 : memref<15632xf32, #tpu.memory_space<vmem>>)
    %add3A_39 = arith.constant 15616 : i32
    %add3A_40 = arith.addi %mul3A_2, %add3A_39 : i32
    %convert_element_type3A_41 = arith.sitofp %add3A_40 : i32 to f32
    %add3A_42 = vector.broadcast %convert_element_type3A_41 : f32 to vector<16xf32>
    %add3A_43 = arith.addf %convert_element_type3A, %add3A_42 : vector<16xf32>
    %scan3A_44 = arith.constant 0 : i32
    %scan3A_45 = arith.constant 976 : i32
    %scan3A_46 = arith.addi %scan3A_44, %scan3A_45 : i32
    %scan3A_47 = arith.constant 16 : i32
    %scan3A_48:3 = scf.for %scan3A_79 = %scan3A_44 to %scan3A_46 step %scan3A_47 iter_args(%scan3A_80 = %scan3A_35#0, %scan3A_81 = %scan3A_35#1, %scan3A_82 = %add3A_43) -> (vector<16xf32>, vector<16xf32>, vector<16xf32>)  : i32 {
      %mul3A_83 = arith.constant 16 : i32
      %mul3A_84 = arith.muli %scan3A_79, %mul3A_83 : i32
      %get3A = arith.index_cast %mul3A_84 : i32 to index
      %get3A_85 = tpu.vector_load %arg5[%get3A] {strides = array<i32>} : memref<15632xf32, #tpu.memory_space<vmem>>, vector<16xf32>,
      %get3A_86 = vector.shape_cast %get3A_85 : vector<16xf32> to vector<16xf32>
      %add3A_87 = arith.constant 1 : i32
      %add3A_88 = arith.addi %mul3A_84, %add3A_87 : i32
      %get3A_89 = arith.index_cast %add3A_88 : i32 to index
      %get3A_90 = tpu.vector_load %arg5[%get3A_89] {strides = array<i32>} : memref<15632xf32, #tpu.memory_space<vmem>>, vector<16xf32>,
      %get3A_91 = vector.shape_cast %get3A_90 : vector<16xf32> to vector<16xf32>
      %mul3A_92 = arith.constant 1.00000102E-6 : f32
      %mul3A_93 = vector.broadcast %mul3A_92 : f32 to vector<16xf32>
      %mul3A_94 = arith.mulf %scan3A_82, %mul3A_93 : vector<16xf32>
      %add3A_95 = arith.constant 1.000000e+00 : f32
      %add3A_96 = vector.broadcast %add3A_95 : f32 to vector<16xf32>
      %add3A_97 = arith.addf %scan3A_82, %add3A_96 : vector<16xf32>
      %mul3A_98 = arith.constant 1.00000102E-6 : f32
      %mul3A_99 = vector.broadcast %mul3A_98 : f32 to vector<16xf32>
      %mul3A_100 = arith.mulf %add3A_97, %mul3A_99 : vector<16xf32>
      %sub3A_101 = arith.subf %mul3A_100, %mul3A_94 : vector<16xf32>
      %mul3A_102 = arith.constant 0.899999976 : f32
      %mul3A_103 = vector.broadcast %mul3A_102 : f32 to vector<16xf32>
      %mul3A_104 = arith.mulf %mul3A_103, %sub3A_101 : vector<16xf32>
      %sub3A_105 = arith.subf %get3A_86, %get3A_91 : vector<16xf32>
      %max3A_106 = arith.constant 0.000000e+00 : f32
      %max3A_107 = vector.broadcast %max3A_106 : f32 to vector<16xf32>
      %max3A_108 = arith.maximumf %sub3A_105, %max3A_107 : vector<16xf32>
      %mul3A_109 = arith.mulf %max3A_108, %mul3A_104 : vector<16xf32>
      %add3A_110 = arith.constant 9.99999997E-7 : f32
      %add3A_111 = vector.broadcast %add3A_110 : f32 to vector<16xf32>
      %add3A_112 = arith.addf %mul3A_104, %add3A_111 : vector<16xf32>
      %div3A = arith.divf %mul3A_109, %add3A_112 : vector<16xf32>
      %add3A_113 = arith.addf %scan3A_80, %div3A : vector<16xf32>
      %add3A_114 = arith.addf %scan3A_81, %mul3A_109 : vector<16xf32>
      %add3A_115 = arith.constant 1.600000e+01 : f32
      %add3A_116 = vector.broadcast %add3A_115 : f32 to vector<16xf32>
      %add3A_117 = arith.addf %scan3A_82, %add3A_116 : vector<16xf32>
      %scan3A_118 = arith.constant 1 : i32
      %scan3A_119 = arith.addi %scan3A_79, %scan3A_118 : i32
      %mul3A_120 = arith.constant 16 : i32
      %mul3A_121 = arith.muli %scan3A_119, %mul3A_120 : i32
      %get3A_122 = arith.index_cast %mul3A_121 : i32 to index
      %get3A_123 = tpu.vector_load %arg5[%get3A_122] {strides = array<i32>} : memref<15632xf32, #tpu.memory_space<vmem>>, vector<16xf32>,
      %get3A_124 = vector.shape_cast %get3A_123 : vector<16xf32> to vector<16xf32>
      %add3A_125 = arith.constant 1 : i32
      %add3A_126 = arith.addi %mul3A_121, %add3A_125 : i32
      %get3A_127 = arith.index_cast %add3A_126 : i32 to index
      %get3A_128 = tpu.vector_load %arg5[%get3A_127] {strides = array<i32>} : memref<15632xf32, #tpu.memory_space<vmem>>, vector<16xf32>,
      %get3A_129 = vector.shape_cast %get3A_128 : vector<16xf32> to vector<16xf32>
      %mul3A_130 = arith.constant 1.00000102E-6 : f32
      %mul3A_131 = vector.broadcast %mul3A_130 : f32 to vector<16xf32>
      %mul3A_132 = arith.mulf %add3A_117, %mul3A_131 : vector<16xf32>
      %add3A_133 = arith.constant 1.000000e+00 : f32
      %add3A_134 = vector.broadcast %add3A_133 : f32 to vector<16xf32>
      %add3A_135 = arith.addf %add3A_117, %add3A_134 : vector<16xf32>
      %mul3A_136 = arith.constant 1.00000102E-6 : f32
      %mul3A_137 = vector.broadcast %mul3A_136 : f32 to vector<16xf32>
      %mul3A_138 = arith.mulf %add3A_135, %mul3A_137 : vector<16xf32>
      %sub3A_139 = arith.subf %mul3A_138, %mul3A_132 : vector<16xf32>
      %mul3A_140 = arith.constant 0.899999976 : f32
      %mul3A_141 = vector.broadcast %mul3A_140 : f32 to vector<16xf32>
      %mul3A_142 = arith.mulf %mul3A_141, %sub3A_139 : vector<16xf32>
      %sub3A_143 = arith.subf %get3A_124, %get3A_129 : vector<16xf32>
      %max3A_144 = arith.constant 0.000000e+00 : f32
      %max3A_145 = vector.broadcast %max3A_144 : f32 to vector<16xf32>
      %max3A_146 = arith.maximumf %sub3A_143, %max3A_145 : vector<16xf32>
      %mul3A_147 = arith.mulf %max3A_146, %mul3A_142 : vector<16xf32>
      %add3A_148 = arith.constant 9.99999997E-7 : f32
      %add3A_149 = vector.broadcast %add3A_148 : f32 to vector<16xf32>
      %add3A_150 = arith.addf %mul3A_142, %add3A_149 : vector<16xf32>
      %div3A_151 = arith.divf %mul3A_147, %add3A_150 : vector<16xf32>
      %add3A_152 = arith.addf %add3A_113, %div3A_151 : vector<16xf32>
      %add3A_153 = arith.addf %add3A_114, %mul3A_147 : vector<16xf32>
      %add3A_154 = arith.constant 1.600000e+01 : f32
      %add3A_155 = vector.broadcast %add3A_154 : f32 to vector<16xf32>
      %add3A_156 = arith.addf %add3A_117, %add3A_155 : vector<16xf32>
      %scan3A_157 = arith.constant 2 : i32
      %scan3A_158 = arith.addi %scan3A_79, %scan3A_157 : i32
      %mul3A_159 = arith.constant 16 : i32
      %mul3A_160 = arith.muli %scan3A_158, %mul3A_159 : i32
      %get3A_161 = arith.index_cast %mul3A_160 : i32 to index
      %get3A_162 = tpu.vector_load %arg5[%get3A_161] {strides = array<i32>} : memref<15632xf32, #tpu.memory_space<vmem>>, vector<16xf32>,
      %get3A_163 = vector.shape_cast %get3A_162 : vector<16xf32> to vector<16xf32>
      %add3A_164 = arith.constant 1 : i32
      %add3A_165 = arith.addi %mul3A_160, %add3A_164 : i32
      %get3A_166 = arith.index_cast %add3A_165 : i32 to index
      %get3A_167 = tpu.vector_load %arg5[%get3A_166] {strides = array<i32>} : memref<15632xf32, #tpu.memory_space<vmem>>, vector<16xf32>,
      %get3A_168 = vector.shape_cast %get3A_167 : vector<16xf32> to vector<16xf32>
      %mul3A_169 = arith.constant 1.00000102E-6 : f32
      %mul3A_170 = vector.broadcast %mul3A_169 : f32 to vector<16xf32>
      %mul3A_171 = arith.mulf %add3A_156, %mul3A_170 : vector<16xf32>
      %add3A_172 = arith.constant 1.000000e+00 : f32
      %add3A_173 = vector.broadcast %add3A_172 : f32 to vector<16xf32>
      %add3A_174 = arith.addf %add3A_156, %add3A_173 : vector<16xf32>
      %mul3A_175 = arith.constant 1.00000102E-6 : f32
      %mul3A_176 = vector.broadcast %mul3A_175 : f32 to vector<16xf32>
      %mul3A_177 = arith.mulf %add3A_174, %mul3A_176 : vector<16xf32>
      %sub3A_178 = arith.subf %mul3A_177, %mul3A_171 : vector<16xf32>
      %mul3A_179 = arith.constant 0.899999976 : f32
      %mul3A_180 = vector.broadcast %mul3A_179 : f32 to vector<16xf32>
      %mul3A_181 = arith.mulf %mul3A_180, %sub3A_178 : vector<16xf32>
      %sub3A_182 = arith.subf %get3A_163, %get3A_168 : vector<16xf32>
      %max3A_183 = arith.constant 0.000000e+00 : f32
      %max3A_184 = vector.broadcast %max3A_183 : f32 to vector<16xf32>
      %max3A_185 = arith.maximumf %sub3A_182, %max3A_184 : vector<16xf32>
      %mul3A_186 = arith.mulf %max3A_185, %mul3A_181 : vector<16xf32>
      %add3A_187 = arith.constant 9.99999997E-7 : f32
      %add3A_188 = vector.broadcast %add3A_187 : f32 to vector<16xf32>
      %add3A_189 = arith.addf %mul3A_181, %add3A_188 : vector<16xf32>
      %div3A_190 = arith.divf %mul3A_186, %add3A_189 : vector<16xf32>
      %add3A_191 = arith.addf %add3A_152, %div3A_190 : vector<16xf32>
      %add3A_192 = arith.addf %add3A_153, %mul3A_186 : vector<16xf32>
      %add3A_193 = arith.constant 1.600000e+01 : f32
      %add3A_194 = vector.broadcast %add3A_193 : f32 to vector<16xf32>
      %add3A_195 = arith.addf %add3A_156, %add3A_194 : vector<16xf32>
      %scan3A_196 = arith.constant 3 : i32
      %scan3A_197 = arith.addi %scan3A_79, %scan3A_196 : i32
      %mul3A_198 = arith.constant 16 : i32
      %mul3A_199 = arith.muli %scan3A_197, %mul3A_198 : i32
      %get3A_200 = arith.index_cast %mul3A_199 : i32 to index
      %get3A_201 = tpu.vector_load %arg5[%get3A_200] {strides = array<i32>} : memref<15632xf32, #tpu.memory_space<vmem>>, vector<16xf32>,
      %get3A_202 = vector.shape_cast %get3A_201 : vector<16xf32> to vector<16xf32>
      %add3A_203 = arith.constant 1 : i32
      %add3A_204 = arith.addi %mul3A_199, %add3A_203 : i32
      %get3A_205 = arith.index_cast %add3A_204 : i32 to index
      %get3A_206 = tpu.vector_load %arg5[%get3A_205] {strides = array<i32>} : memref<15632xf32, #tpu.memory_space<vmem>>, vector<16xf32>,
      %get3A_207 = vector.shape_cast %get3A_206 : vector<16xf32> to vector<16xf32>
      %mul3A_208 = arith.constant 1.00000102E-6 : f32
      %mul3A_209 = vector.broadcast %mul3A_208 : f32 to vector<16xf32>
      %mul3A_210 = arith.mulf %add3A_195, %mul3A_209 : vector<16xf32>
      %add3A_211 = arith.constant 1.000000e+00 : f32
      %add3A_212 = vector.broadcast %add3A_211 : f32 to vector<16xf32>
      %add3A_213 = arith.addf %add3A_195, %add3A_212 : vector<16xf32>
      %mul3A_214 = arith.constant 1.00000102E-6 : f32
      %mul3A_215 = vector.broadcast %mul3A_214 : f32 to vector<16xf32>
      %mul3A_216 = arith.mulf %add3A_213, %mul3A_215 : vector<16xf32>
      %sub3A_217 = arith.subf %mul3A_216, %mul3A_210 : vector<16xf32>
      %mul3A_218 = arith.constant 0.899999976 : f32
      %mul3A_219 = vector.broadcast %mul3A_218 : f32 to vector<16xf32>
      %mul3A_220 = arith.mulf %mul3A_219, %sub3A_217 : vector<16xf32>
      %sub3A_221 = arith.subf %get3A_202, %get3A_207 : vector<16xf32>
      %max3A_222 = arith.constant 0.000000e+00 : f32
      %max3A_223 = vector.broadcast %max3A_222 : f32 to vector<16xf32>
      %max3A_224 = arith.maximumf %sub3A_221, %max3A_223 : vector<16xf32>
      %mul3A_225 = arith.mulf %max3A_224, %mul3A_220 : vector<16xf32>
      %add3A_226 = arith.constant 9.99999997E-7 : f32
      %add3A_227 = vector.broadcast %add3A_226 : f32 to vector<16xf32>
      %add3A_228 = arith.addf %mul3A_220, %add3A_227 : vector<16xf32>
      %div3A_229 = arith.divf %mul3A_225, %add3A_228 : vector<16xf32>
      %add3A_230 = arith.addf %add3A_191, %div3A_229 : vector<16xf32>
      %add3A_231 = arith.addf %add3A_192, %mul3A_225 : vector<16xf32>
      %add3A_232 = arith.constant 1.600000e+01 : f32
      %add3A_233 = vector.broadcast %add3A_232 : f32 to vector<16xf32>
      %add3A_234 = arith.addf %add3A_195, %add3A_233 : vector<16xf32>
      %scan3A_235 = arith.constant 4 : i32
      %scan3A_236 = arith.addi %scan3A_79, %scan3A_235 : i32
      %mul3A_237 = arith.constant 16 : i32
      %mul3A_238 = arith.muli %scan3A_236, %mul3A_237 : i32
      %get3A_239 = arith.index_cast %mul3A_238 : i32 to index
      %get3A_240 = tpu.vector_load %arg5[%get3A_239] {strides = array<i32>} : memref<15632xf32, #tpu.memory_space<vmem>>, vector<16xf32>,
      %get3A_241 = vector.shape_cast %get3A_240 : vector<16xf32> to vector<16xf32>
      %add3A_242 = arith.constant 1 : i32
      %add3A_243 = arith.addi %mul3A_238, %add3A_242 : i32
      %get3A_244 = arith.index_cast %add3A_243 : i32 to index
      %get3A_245 = tpu.vector_load %arg5[%get3A_244] {strides = array<i32>} : memref<15632xf32, #tpu.memory_space<vmem>>, vector<16xf32>,
      %get3A_246 = vector.shape_cast %get3A_245 : vector<16xf32> to vector<16xf32>
      %mul3A_247 = arith.constant 1.00000102E-6 : f32
      %mul3A_248 = vector.broadcast %mul3A_247 : f32 to vector<16xf32>
      %mul3A_249 = arith.mulf %add3A_234, %mul3A_248 : vector<16xf32>
      %add3A_250 = arith.constant 1.000000e+00 : f32
      %add3A_251 = vector.broadcast %add3A_250 : f32 to vector<16xf32>
      %add3A_252 = arith.addf %add3A_234, %add3A_251 : vector<16xf32>
      %mul3A_253 = arith.constant 1.00000102E-6 : f32
      %mul3A_254 = vector.broadcast %mul3A_253 : f32 to vector<16xf32>
      %mul3A_255 = arith.mulf %add3A_252, %mul3A_254 : vector<16xf32>
      %sub3A_256 = arith.subf %mul3A_255, %mul3A_249 : vector<16xf32>
      %mul3A_257 = arith.constant 0.899999976 : f32
      %mul3A_258 = vector.broadcast %mul3A_257 : f32 to vector<16xf32>
      %mul3A_259 = arith.mulf %mul3A_258, %sub3A_256 : vector<16xf32>
      %sub3A_260 = arith.subf %get3A_241, %get3A_246 : vector<16xf32>
      %max3A_261 = arith.constant 0.000000e+00 : f32
      %max3A_262 = vector.broadcast %max3A_261 : f32 to vector<16xf32>
      %max3A_263 = arith.maximumf %sub3A_260, %max3A_262 : vector<16xf32>
      %mul3A_264 = arith.mulf %max3A_263, %mul3A_259 : vector<16xf32>
      %add3A_265 = arith.constant 9.99999997E-7 : f32
      %add3A_266 = vector.broadcast %add3A_265 : f32 to vector<16xf32>
      %add3A_267 = arith.addf %mul3A_259, %add3A_266 : vector<16xf32>
      %div3A_268 = arith.divf %mul3A_264, %add3A_267 : vector<16xf32>
      %add3A_269 = arith.addf %add3A_230, %div3A_268 : vector<16xf32>
      %add3A_270 = arith.addf %add3A_231, %mul3A_264 : vector<16xf32>
      %add3A_271 = arith.constant 1.600000e+01 : f32
      %add3A_272 = vector.broadcast %add3A_271 : f32 to vector<16xf32>
      %add3A_273 = arith.addf %add3A_234, %add3A_272 : vector<16xf32>
      %scan3A_274 = arith.constant 5 : i32
      %scan3A_275 = arith.addi %scan3A_79, %scan3A_274 : i32
      %mul3A_276 = arith.constant 16 : i32
      %mul3A_277 = arith.muli %scan3A_275, %mul3A_276 : i32
      %get3A_278 = arith.index_cast %mul3A_277 : i32 to index
      %get3A_279 = tpu.vector_load %arg5[%get3A_278] {strides = array<i32>} : memref<15632xf32, #tpu.memory_space<vmem>>, vector<16xf32>,
      %get3A_280 = vector.shape_cast %get3A_279 : vector<16xf32> to vector<16xf32>
      %add3A_281 = arith.constant 1 : i32
      %add3A_282 = arith.addi %mul3A_277, %add3A_281 : i32
      %get3A_283 = arith.index_cast %add3A_282 : i32 to index
      %get3A_284 = tpu.vector_load %arg5[%get3A_283] {strides = array<i32>} : memref<15632xf32, #tpu.memory_space<vmem>>, vector<16xf32>,
      %get3A_285 = vector.shape_cast %get3A_284 : vector<16xf32> to vector<16xf32>
      %mul3A_286 = arith.constant 1.00000102E-6 : f32
      %mul3A_287 = vector.broadcast %mul3A_286 : f32 to vector<16xf32>
      %mul3A_288 = arith.mulf %add3A_273, %mul3A_287 : vector<16xf32>
      %add3A_289 = arith.constant 1.000000e+00 : f32
      %add3A_290 = vector.broadcast %add3A_289 : f32 to vector<16xf32>
      %add3A_291 = arith.addf %add3A_273, %add3A_290 : vector<16xf32>
      %mul3A_292 = arith.constant 1.00000102E-6 : f32
      %mul3A_293 = vector.broadcast %mul3A_292 : f32 to vector<16xf32>
      %mul3A_294 = arith.mulf %add3A_291, %mul3A_293 : vector<16xf32>
      %sub3A_295 = arith.subf %mul3A_294, %mul3A_288 : vector<16xf32>
      %mul3A_296 = arith.constant 0.899999976 : f32
      %mul3A_297 = vector.broadcast %mul3A_296 : f32 to vector<16xf32>
      %mul3A_298 = arith.mulf %mul3A_297, %sub3A_295 : vector<16xf32>
      %sub3A_299 = arith.subf %get3A_280, %get3A_285 : vector<16xf32>
      %max3A_300 = arith.constant 0.000000e+00 : f32
      %max3A_301 = vector.broadcast %max3A_300 : f32 to vector<16xf32>
      %max3A_302 = arith.maximumf %sub3A_299, %max3A_301 : vector<16xf32>
      %mul3A_303 = arith.mulf %max3A_302, %mul3A_298 : vector<16xf32>
      %add3A_304 = arith.constant 9.99999997E-7 : f32
      %add3A_305 = vector.broadcast %add3A_304 : f32 to vector<16xf32>
      %add3A_306 = arith.addf %mul3A_298, %add3A_305 : vector<16xf32>
      %div3A_307 = arith.divf %mul3A_303, %add3A_306 : vector<16xf32>
      %add3A_308 = arith.addf %add3A_269, %div3A_307 : vector<16xf32>
      %add3A_309 = arith.addf %add3A_270, %mul3A_303 : vector<16xf32>
      %add3A_310 = arith.constant 1.600000e+01 : f32
      %add3A_311 = vector.broadcast %add3A_310 : f32 to vector<16xf32>
      %add3A_312 = arith.addf %add3A_273, %add3A_311 : vector<16xf32>
      %scan3A_313 = arith.constant 6 : i32
      %scan3A_314 = arith.addi %scan3A_79, %scan3A_313 : i32
      %mul3A_315 = arith.constant 16 : i32
      %mul3A_316 = arith.muli %scan3A_314, %mul3A_315 : i32
      %get3A_317 = arith.index_cast %mul3A_316 : i32 to index
      %get3A_318 = tpu.vector_load %arg5[%get3A_317] {strides = array<i32>} : memref<15632xf32, #tpu.memory_space<vmem>>, vector<16xf32>,
      %get3A_319 = vector.shape_cast %get3A_318 : vector<16xf32> to vector<16xf32>
      %add3A_320 = arith.constant 1 : i32
      %add3A_321 = arith.addi %mul3A_316, %add3A_320 : i32
      %get3A_322 = arith.index_cast %add3A_321 : i32 to index
      %get3A_323 = tpu.vector_load %arg5[%get3A_322] {strides = array<i32>} : memref<15632xf32, #tpu.memory_space<vmem>>, vector<16xf32>,
      %get3A_324 = vector.shape_cast %get3A_323 : vector<16xf32> to vector<16xf32>
      %mul3A_325 = arith.constant 1.00000102E-6 : f32
      %mul3A_326 = vector.broadcast %mul3A_325 : f32 to vector<16xf32>
      %mul3A_327 = arith.mulf %add3A_312, %mul3A_326 : vector<16xf32>
      %add3A_328 = arith.constant 1.000000e+00 : f32
      %add3A_329 = vector.broadcast %add3A_328 : f32 to vector<16xf32>
      %add3A_330 = arith.addf %add3A_312, %add3A_329 : vector<16xf32>
      %mul3A_331 = arith.constant 1.00000102E-6 : f32
      %mul3A_332 = vector.broadcast %mul3A_331 : f32 to vector<16xf32>
      %mul3A_333 = arith.mulf %add3A_330, %mul3A_332 : vector<16xf32>
      %sub3A_334 = arith.subf %mul3A_333, %mul3A_327 : vector<16xf32>
      %mul3A_335 = arith.constant 0.899999976 : f32
      %mul3A_336 = vector.broadcast %mul3A_335 : f32 to vector<16xf32>
      %mul3A_337 = arith.mulf %mul3A_336, %sub3A_334 : vector<16xf32>
      %sub3A_338 = arith.subf %get3A_319, %get3A_324 : vector<16xf32>
      %max3A_339 = arith.constant 0.000000e+00 : f32
      %max3A_340 = vector.broadcast %max3A_339 : f32 to vector<16xf32>
      %max3A_341 = arith.maximumf %sub3A_338, %max3A_340 : vector<16xf32>
      %mul3A_342 = arith.mulf %max3A_341, %mul3A_337 : vector<16xf32>
      %add3A_343 = arith.constant 9.99999997E-7 : f32
      %add3A_344 = vector.broadcast %add3A_343 : f32 to vector<16xf32>
      %add3A_345 = arith.addf %mul3A_337, %add3A_344 : vector<16xf32>
      %div3A_346 = arith.divf %mul3A_342, %add3A_345 : vector<16xf32>
      %add3A_347 = arith.addf %add3A_308, %div3A_346 : vector<16xf32>
      %add3A_348 = arith.addf %add3A_309, %mul3A_342 : vector<16xf32>
      %add3A_349 = arith.constant 1.600000e+01 : f32
      %add3A_350 = vector.broadcast %add3A_349 : f32 to vector<16xf32>
      %add3A_351 = arith.addf %add3A_312, %add3A_350 : vector<16xf32>
      %scan3A_352 = arith.constant 7 : i32
      %scan3A_353 = arith.addi %scan3A_79, %scan3A_352 : i32
      %mul3A_354 = arith.constant 16 : i32
      %mul3A_355 = arith.muli %scan3A_353, %mul3A_354 : i32
      %get3A_356 = arith.index_cast %mul3A_355 : i32 to index
      %get3A_357 = tpu.vector_load %arg5[%get3A_356] {strides = array<i32>} : memref<15632xf32, #tpu.memory_space<vmem>>, vector<16xf32>,
      %get3A_358 = vector.shape_cast %get3A_357 : vector<16xf32> to vector<16xf32>
      %add3A_359 = arith.constant 1 : i32
      %add3A_360 = arith.addi %mul3A_355, %add3A_359 : i32
      %get3A_361 = arith.index_cast %add3A_360 : i32 to index
      %get3A_362 = tpu.vector_load %arg5[%get3A_361] {strides = array<i32>} : memref<15632xf32, #tpu.memory_space<vmem>>, vector<16xf32>,
      %get3A_363 = vector.shape_cast %get3A_362 : vector<16xf32> to vector<16xf32>
      %mul3A_364 = arith.constant 1.00000102E-6 : f32
      %mul3A_365 = vector.broadcast %mul3A_364 : f32 to vector<16xf32>
      %mul3A_366 = arith.mulf %add3A_351, %mul3A_365 : vector<16xf32>
      %add3A_367 = arith.constant 1.000000e+00 : f32
      %add3A_368 = vector.broadcast %add3A_367 : f32 to vector<16xf32>
      %add3A_369 = arith.addf %add3A_351, %add3A_368 : vector<16xf32>
      %mul3A_370 = arith.constant 1.00000102E-6 : f32
      %mul3A_371 = vector.broadcast %mul3A_370 : f32 to vector<16xf32>
      %mul3A_372 = arith.mulf %add3A_369, %mul3A_371 : vector<16xf32>
      %sub3A_373 = arith.subf %mul3A_372, %mul3A_366 : vector<16xf32>
      %mul3A_374 = arith.constant 0.899999976 : f32
      %mul3A_375 = vector.broadcast %mul3A_374 : f32 to vector<16xf32>
      %mul3A_376 = arith.mulf %mul3A_375, %sub3A_373 : vector<16xf32>
      %sub3A_377 = arith.subf %get3A_358, %get3A_363 : vector<16xf32>
      %max3A_378 = arith.constant 0.000000e+00 : f32
      %max3A_379 = vector.broadcast %max3A_378 : f32 to vector<16xf32>
      %max3A_380 = arith.maximumf %sub3A_377, %max3A_379 : vector<16xf32>
      %mul3A_381 = arith.mulf %max3A_380, %mul3A_376 : vector<16xf32>
      %add3A_382 = arith.constant 9.99999997E-7 : f32
      %add3A_383 = vector.broadcast %add3A_382 : f32 to vector<16xf32>
      %add3A_384 = arith.addf %mul3A_376, %add3A_383 : vector<16xf32>
      %div3A_385 = arith.divf %mul3A_381, %add3A_384 : vector<16xf32>
      %add3A_386 = arith.addf %add3A_347, %div3A_385 : vector<16xf32>
      %add3A_387 = arith.addf %add3A_348, %mul3A_381 : vector<16xf32>
      %add3A_388 = arith.constant 1.600000e+01 : f32
      %add3A_389 = vector.broadcast %add3A_388 : f32 to vector<16xf32>
      %add3A_390 = arith.addf %add3A_351, %add3A_389 : vector<16xf32>
      %scan3A_391 = arith.constant 8 : i32
      %scan3A_392 = arith.addi %scan3A_79, %scan3A_391 : i32
      %mul3A_393 = arith.constant 16 : i32
      %mul3A_394 = arith.muli %scan3A_392, %mul3A_393 : i32
      %get3A_395 = arith.index_cast %mul3A_394 : i32 to index
      %get3A_396 = tpu.vector_load %arg5[%get3A_395] {strides = array<i32>} : memref<15632xf32, #tpu.memory_space<vmem>>, vector<16xf32>,
      %get3A_397 = vector.shape_cast %get3A_396 : vector<16xf32> to vector<16xf32>
      %add3A_398 = arith.constant 1 : i32
      %add3A_399 = arith.addi %mul3A_394, %add3A_398 : i32
      %get3A_400 = arith.index_cast %add3A_399 : i32 to index
      %get3A_401 = tpu.vector_load %arg5[%get3A_400] {strides = array<i32>} : memref<15632xf32, #tpu.memory_space<vmem>>, vector<16xf32>,
      %get3A_402 = vector.shape_cast %get3A_401 : vector<16xf32> to vector<16xf32>
      %mul3A_403 = arith.constant 1.00000102E-6 : f32
      %mul3A_404 = vector.broadcast %mul3A_403 : f32 to vector<16xf32>
      %mul3A_405 = arith.mulf %add3A_390, %mul3A_404 : vector<16xf32>
      %add3A_406 = arith.constant 1.000000e+00 : f32
      %add3A_407 = vector.broadcast %add3A_406 : f32 to vector<16xf32>
      %add3A_408 = arith.addf %add3A_390, %add3A_407 : vector<16xf32>
      %mul3A_409 = arith.constant 1.00000102E-6 : f32
      %mul3A_410 = vector.broadcast %mul3A_409 : f32 to vector<16xf32>
      %mul3A_411 = arith.mulf %add3A_408, %mul3A_410 : vector<16xf32>
      %sub3A_412 = arith.subf %mul3A_411, %mul3A_405 : vector<16xf32>
      %mul3A_413 = arith.constant 0.899999976 : f32
      %mul3A_414 = vector.broadcast %mul3A_413 : f32 to vector<16xf32>
      %mul3A_415 = arith.mulf %mul3A_414, %sub3A_412 : vector<16xf32>
      %sub3A_416 = arith.subf %get3A_397, %get3A_402 : vector<16xf32>
      %max3A_417 = arith.constant 0.000000e+00 : f32
      %max3A_418 = vector.broadcast %max3A_417 : f32 to vector<16xf32>
      %max3A_419 = arith.maximumf %sub3A_416, %max3A_418 : vector<16xf32>
      %mul3A_420 = arith.mulf %max3A_419, %mul3A_415 : vector<16xf32>
      %add3A_421 = arith.constant 9.99999997E-7 : f32
      %add3A_422 = vector.broadcast %add3A_421 : f32 to vector<16xf32>
      %add3A_423 = arith.addf %mul3A_415, %add3A_422 : vector<16xf32>
      %div3A_424 = arith.divf %mul3A_420, %add3A_423 : vector<16xf32>
      %add3A_425 = arith.addf %add3A_386, %div3A_424 : vector<16xf32>
      %add3A_426 = arith.addf %add3A_387, %mul3A_420 : vector<16xf32>
      %add3A_427 = arith.constant 1.600000e+01 : f32
      %add3A_428 = vector.broadcast %add3A_427 : f32 to vector<16xf32>
      %add3A_429 = arith.addf %add3A_390, %add3A_428 : vector<16xf32>
      %scan3A_430 = arith.constant 9 : i32
      %scan3A_431 = arith.addi %scan3A_79, %scan3A_430 : i32
      %mul3A_432 = arith.constant 16 : i32
      %mul3A_433 = arith.muli %scan3A_431, %mul3A_432 : i32
      %get3A_434 = arith.index_cast %mul3A_433 : i32 to index
      %get3A_435 = tpu.vector_load %arg5[%get3A_434] {strides = array<i32>} : memref<15632xf32, #tpu.memory_space<vmem>>, vector<16xf32>,
      %get3A_436 = vector.shape_cast %get3A_435 : vector<16xf32> to vector<16xf32>
      %add3A_437 = arith.constant 1 : i32
      %add3A_438 = arith.addi %mul3A_433, %add3A_437 : i32
      %get3A_439 = arith.index_cast %add3A_438 : i32 to index
      %get3A_440 = tpu.vector_load %arg5[%get3A_439] {strides = array<i32>} : memref<15632xf32, #tpu.memory_space<vmem>>, vector<16xf32>,
      %get3A_441 = vector.shape_cast %get3A_440 : vector<16xf32> to vector<16xf32>
      %mul3A_442 = arith.constant 1.00000102E-6 : f32
      %mul3A_443 = vector.broadcast %mul3A_442 : f32 to vector<16xf32>
      %mul3A_444 = arith.mulf %add3A_429, %mul3A_443 : vector<16xf32>
      %add3A_445 = arith.constant 1.000000e+00 : f32
      %add3A_446 = vector.broadcast %add3A_445 : f32 to vector<16xf32>
      %add3A_447 = arith.addf %add3A_429, %add3A_446 : vector<16xf32>
      %mul3A_448 = arith.constant 1.00000102E-6 : f32
      %mul3A_449 = vector.broadcast %mul3A_448 : f32 to vector<16xf32>
      %mul3A_450 = arith.mulf %add3A_447, %mul3A_449 : vector<16xf32>
      %sub3A_451 = arith.subf %mul3A_450, %mul3A_444 : vector<16xf32>
      %mul3A_452 = arith.constant 0.899999976 : f32
      %mul3A_453 = vector.broadcast %mul3A_452 : f32 to vector<16xf32>
      %mul3A_454 = arith.mulf %mul3A_453, %sub3A_451 : vector<16xf32>
      %sub3A_455 = arith.subf %get3A_436, %get3A_441 : vector<16xf32>
      %max3A_456 = arith.constant 0.000000e+00 : f32
      %max3A_457 = vector.broadcast %max3A_456 : f32 to vector<16xf32>
      %max3A_458 = arith.maximumf %sub3A_455, %max3A_457 : vector<16xf32>
      %mul3A_459 = arith.mulf %max3A_458, %mul3A_454 : vector<16xf32>
      %add3A_460 = arith.constant 9.99999997E-7 : f32
      %add3A_461 = vector.broadcast %add3A_460 : f32 to vector<16xf32>
      %add3A_462 = arith.addf %mul3A_454, %add3A_461 : vector<16xf32>
      %div3A_463 = arith.divf %mul3A_459, %add3A_462 : vector<16xf32>
      %add3A_464 = arith.addf %add3A_425, %div3A_463 : vector<16xf32>
      %add3A_465 = arith.addf %add3A_426, %mul3A_459 : vector<16xf32>
      %add3A_466 = arith.constant 1.600000e+01 : f32
      %add3A_467 = vector.broadcast %add3A_466 : f32 to vector<16xf32>
      %add3A_468 = arith.addf %add3A_429, %add3A_467 : vector<16xf32>
      %scan3A_469 = arith.constant 10 : i32
      %scan3A_470 = arith.addi %scan3A_79, %scan3A_469 : i32
      %mul3A_471 = arith.constant 16 : i32
      %mul3A_472 = arith.muli %scan3A_470, %mul3A_471 : i32
      %get3A_473 = arith.index_cast %mul3A_472 : i32 to index
      %get3A_474 = tpu.vector_load %arg5[%get3A_473] {strides = array<i32>} : memref<15632xf32, #tpu.memory_space<vmem>>, vector<16xf32>,
      %get3A_475 = vector.shape_cast %get3A_474 : vector<16xf32> to vector<16xf32>
      %add3A_476 = arith.constant 1 : i32
      %add3A_477 = arith.addi %mul3A_472, %add3A_476 : i32
      %get3A_478 = arith.index_cast %add3A_477 : i32 to index
      %get3A_479 = tpu.vector_load %arg5[%get3A_478] {strides = array<i32>} : memref<15632xf32, #tpu.memory_space<vmem>>, vector<16xf32>,
      %get3A_480 = vector.shape_cast %get3A_479 : vector<16xf32> to vector<16xf32>
      %mul3A_481 = arith.constant 1.00000102E-6 : f32
      %mul3A_482 = vector.broadcast %mul3A_481 : f32 to vector<16xf32>
      %mul3A_483 = arith.mulf %add3A_468, %mul3A_482 : vector<16xf32>
      %add3A_484 = arith.constant 1.000000e+00 : f32
      %add3A_485 = vector.broadcast %add3A_484 : f32 to vector<16xf32>
      %add3A_486 = arith.addf %add3A_468, %add3A_485 : vector<16xf32>
      %mul3A_487 = arith.constant 1.00000102E-6 : f32
      %mul3A_488 = vector.broadcast %mul3A_487 : f32 to vector<16xf32>
      %mul3A_489 = arith.mulf %add3A_486, %mul3A_488 : vector<16xf32>
      %sub3A_490 = arith.subf %mul3A_489, %mul3A_483 : vector<16xf32>
      %mul3A_491 = arith.constant 0.899999976 : f32
      %mul3A_492 = vector.broadcast %mul3A_491 : f32 to vector<16xf32>
      %mul3A_493 = arith.mulf %mul3A_492, %sub3A_490 : vector<16xf32>
      %sub3A_494 = arith.subf %get3A_475, %get3A_480 : vector<16xf32>
      %max3A_495 = arith.constant 0.000000e+00 : f32
      %max3A_496 = vector.broadcast %max3A_495 : f32 to vector<16xf32>
      %max3A_497 = arith.maximumf %sub3A_494, %max3A_496 : vector<16xf32>
      %mul3A_498 = arith.mulf %max3A_497, %mul3A_493 : vector<16xf32>
      %add3A_499 = arith.constant 9.99999997E-7 : f32
      %add3A_500 = vector.broadcast %add3A_499 : f32 to vector<16xf32>
      %add3A_501 = arith.addf %mul3A_493, %add3A_500 : vector<16xf32>
      %div3A_502 = arith.divf %mul3A_498, %add3A_501 : vector<16xf32>
      %add3A_503 = arith.addf %add3A_464, %div3A_502 : vector<16xf32>
      %add3A_504 = arith.addf %add3A_465, %mul3A_498 : vector<16xf32>
      %add3A_505 = arith.constant 1.600000e+01 : f32
      %add3A_506 = vector.broadcast %add3A_505 : f32 to vector<16xf32>
      %add3A_507 = arith.addf %add3A_468, %add3A_506 : vector<16xf32>
      %scan3A_508 = arith.constant 11 : i32
      %scan3A_509 = arith.addi %scan3A_79, %scan3A_508 : i32
      %mul3A_510 = arith.constant 16 : i32
      %mul3A_511 = arith.muli %scan3A_509, %mul3A_510 : i32
      %get3A_512 = arith.index_cast %mul3A_511 : i32 to index
      %get3A_513 = tpu.vector_load %arg5[%get3A_512] {strides = array<i32>} : memref<15632xf32, #tpu.memory_space<vmem>>, vector<16xf32>,
      %get3A_514 = vector.shape_cast %get3A_513 : vector<16xf32> to vector<16xf32>
      %add3A_515 = arith.constant 1 : i32
      %add3A_516 = arith.addi %mul3A_511, %add3A_515 : i32
      %get3A_517 = arith.index_cast %add3A_516 : i32 to index
      %get3A_518 = tpu.vector_load %arg5[%get3A_517] {strides = array<i32>} : memref<15632xf32, #tpu.memory_space<vmem>>, vector<16xf32>,
      %get3A_519 = vector.shape_cast %get3A_518 : vector<16xf32> to vector<16xf32>
      %mul3A_520 = arith.constant 1.00000102E-6 : f32
      %mul3A_521 = vector.broadcast %mul3A_520 : f32 to vector<16xf32>
      %mul3A_522 = arith.mulf %add3A_507, %mul3A_521 : vector<16xf32>
      %add3A_523 = arith.constant 1.000000e+00 : f32
      %add3A_524 = vector.broadcast %add3A_523 : f32 to vector<16xf32>
      %add3A_525 = arith.addf %add3A_507, %add3A_524 : vector<16xf32>
      %mul3A_526 = arith.constant 1.00000102E-6 : f32
      %mul3A_527 = vector.broadcast %mul3A_526 : f32 to vector<16xf32>
      %mul3A_528 = arith.mulf %add3A_525, %mul3A_527 : vector<16xf32>
      %sub3A_529 = arith.subf %mul3A_528, %mul3A_522 : vector<16xf32>
      %mul3A_530 = arith.constant 0.899999976 : f32
      %mul3A_531 = vector.broadcast %mul3A_530 : f32 to vector<16xf32>
      %mul3A_532 = arith.mulf %mul3A_531, %sub3A_529 : vector<16xf32>
      %sub3A_533 = arith.subf %get3A_514, %get3A_519 : vector<16xf32>
      %max3A_534 = arith.constant 0.000000e+00 : f32
      %max3A_535 = vector.broadcast %max3A_534 : f32 to vector<16xf32>
      %max3A_536 = arith.maximumf %sub3A_533, %max3A_535 : vector<16xf32>
      %mul3A_537 = arith.mulf %max3A_536, %mul3A_532 : vector<16xf32>
      %add3A_538 = arith.constant 9.99999997E-7 : f32
      %add3A_539 = vector.broadcast %add3A_538 : f32 to vector<16xf32>
      %add3A_540 = arith.addf %mul3A_532, %add3A_539 : vector<16xf32>
      %div3A_541 = arith.divf %mul3A_537, %add3A_540 : vector<16xf32>
      %add3A_542 = arith.addf %add3A_503, %div3A_541 : vector<16xf32>
      %add3A_543 = arith.addf %add3A_504, %mul3A_537 : vector<16xf32>
      %add3A_544 = arith.constant 1.600000e+01 : f32
      %add3A_545 = vector.broadcast %add3A_544 : f32 to vector<16xf32>
      %add3A_546 = arith.addf %add3A_507, %add3A_545 : vector<16xf32>
      %scan3A_547 = arith.constant 12 : i32
      %scan3A_548 = arith.addi %scan3A_79, %scan3A_547 : i32
      %mul3A_549 = arith.constant 16 : i32
      %mul3A_550 = arith.muli %scan3A_548, %mul3A_549 : i32
      %get3A_551 = arith.index_cast %mul3A_550 : i32 to index
      %get3A_552 = tpu.vector_load %arg5[%get3A_551] {strides = array<i32>} : memref<15632xf32, #tpu.memory_space<vmem>>, vector<16xf32>,
      %get3A_553 = vector.shape_cast %get3A_552 : vector<16xf32> to vector<16xf32>
      %add3A_554 = arith.constant 1 : i32
      %add3A_555 = arith.addi %mul3A_550, %add3A_554 : i32
      %get3A_556 = arith.index_cast %add3A_555 : i32 to index
      %get3A_557 = tpu.vector_load %arg5[%get3A_556] {strides = array<i32>} : memref<15632xf32, #tpu.memory_space<vmem>>, vector<16xf32>,
      %get3A_558 = vector.shape_cast %get3A_557 : vector<16xf32> to vector<16xf32>
      %mul3A_559 = arith.constant 1.00000102E-6 : f32
      %mul3A_560 = vector.broadcast %mul3A_559 : f32 to vector<16xf32>
      %mul3A_561 = arith.mulf %add3A_546, %mul3A_560 : vector<16xf32>
      %add3A_562 = arith.constant 1.000000e+00 : f32
      %add3A_563 = vector.broadcast %add3A_562 : f32 to vector<16xf32>
      %add3A_564 = arith.addf %add3A_546, %add3A_563 : vector<16xf32>
      %mul3A_565 = arith.constant 1.00000102E-6 : f32
      %mul3A_566 = vector.broadcast %mul3A_565 : f32 to vector<16xf32>
      %mul3A_567 = arith.mulf %add3A_564, %mul3A_566 : vector<16xf32>
      %sub3A_568 = arith.subf %mul3A_567, %mul3A_561 : vector<16xf32>
      %mul3A_569 = arith.constant 0.899999976 : f32
      %mul3A_570 = vector.broadcast %mul3A_569 : f32 to vector<16xf32>
      %mul3A_571 = arith.mulf %mul3A_570, %sub3A_568 : vector<16xf32>
      %sub3A_572 = arith.subf %get3A_553, %get3A_558 : vector<16xf32>
      %max3A_573 = arith.constant 0.000000e+00 : f32
      %max3A_574 = vector.broadcast %max3A_573 : f32 to vector<16xf32>
      %max3A_575 = arith.maximumf %sub3A_572, %max3A_574 : vector<16xf32>
      %mul3A_576 = arith.mulf %max3A_575, %mul3A_571 : vector<16xf32>
      %add3A_577 = arith.constant 9.99999997E-7 : f32
      %add3A_578 = vector.broadcast %add3A_577 : f32 to vector<16xf32>
      %add3A_579 = arith.addf %mul3A_571, %add3A_578 : vector<16xf32>
      %div3A_580 = arith.divf %mul3A_576, %add3A_579 : vector<16xf32>
      %add3A_581 = arith.addf %add3A_542, %div3A_580 : vector<16xf32>
      %add3A_582 = arith.addf %add3A_543, %mul3A_576 : vector<16xf32>
      %add3A_583 = arith.constant 1.600000e+01 : f32
      %add3A_584 = vector.broadcast %add3A_583 : f32 to vector<16xf32>
      %add3A_585 = arith.addf %add3A_546, %add3A_584 : vector<16xf32>
      %scan3A_586 = arith.constant 13 : i32
      %scan3A_587 = arith.addi %scan3A_79, %scan3A_586 : i32
      %mul3A_588 = arith.constant 16 : i32
      %mul3A_589 = arith.muli %scan3A_587, %mul3A_588 : i32
      %get3A_590 = arith.index_cast %mul3A_589 : i32 to index
      %get3A_591 = tpu.vector_load %arg5[%get3A_590] {strides = array<i32>} : memref<15632xf32, #tpu.memory_space<vmem>>, vector<16xf32>,
      %get3A_592 = vector.shape_cast %get3A_591 : vector<16xf32> to vector<16xf32>
      %add3A_593 = arith.constant 1 : i32
      %add3A_594 = arith.addi %mul3A_589, %add3A_593 : i32
      %get3A_595 = arith.index_cast %add3A_594 : i32 to index
      %get3A_596 = tpu.vector_load %arg5[%get3A_595] {strides = array<i32>} : memref<15632xf32, #tpu.memory_space<vmem>>, vector<16xf32>,
      %get3A_597 = vector.shape_cast %get3A_596 : vector<16xf32> to vector<16xf32>
      %mul3A_598 = arith.constant 1.00000102E-6 : f32
      %mul3A_599 = vector.broadcast %mul3A_598 : f32 to vector<16xf32>
      %mul3A_600 = arith.mulf %add3A_585, %mul3A_599 : vector<16xf32>
      %add3A_601 = arith.constant 1.000000e+00 : f32
      %add3A_602 = vector.broadcast %add3A_601 : f32 to vector<16xf32>
      %add3A_603 = arith.addf %add3A_585, %add3A_602 : vector<16xf32>
      %mul3A_604 = arith.constant 1.00000102E-6 : f32
      %mul3A_605 = vector.broadcast %mul3A_604 : f32 to vector<16xf32>
      %mul3A_606 = arith.mulf %add3A_603, %mul3A_605 : vector<16xf32>
      %sub3A_607 = arith.subf %mul3A_606, %mul3A_600 : vector<16xf32>
      %mul3A_608 = arith.constant 0.899999976 : f32
      %mul3A_609 = vector.broadcast %mul3A_608 : f32 to vector<16xf32>
      %mul3A_610 = arith.mulf %mul3A_609, %sub3A_607 : vector<16xf32>
      %sub3A_611 = arith.subf %get3A_592, %get3A_597 : vector<16xf32>
      %max3A_612 = arith.constant 0.000000e+00 : f32
      %max3A_613 = vector.broadcast %max3A_612 : f32 to vector<16xf32>
      %max3A_614 = arith.maximumf %sub3A_611, %max3A_613 : vector<16xf32>
      %mul3A_615 = arith.mulf %max3A_614, %mul3A_610 : vector<16xf32>
      %add3A_616 = arith.constant 9.99999997E-7 : f32
      %add3A_617 = vector.broadcast %add3A_616 : f32 to vector<16xf32>
      %add3A_618 = arith.addf %mul3A_610, %add3A_617 : vector<16xf32>
      %div3A_619 = arith.divf %mul3A_615, %add3A_618 : vector<16xf32>
      %add3A_620 = arith.addf %add3A_581, %div3A_619 : vector<16xf32>
      %add3A_621 = arith.addf %add3A_582, %mul3A_615 : vector<16xf32>
      %add3A_622 = arith.constant 1.600000e+01 : f32
      %add3A_623 = vector.broadcast %add3A_622 : f32 to vector<16xf32>
      %add3A_624 = arith.addf %add3A_585, %add3A_623 : vector<16xf32>
      %scan3A_625 = arith.constant 14 : i32
      %scan3A_626 = arith.addi %scan3A_79, %scan3A_625 : i32
      %mul3A_627 = arith.constant 16 : i32
      %mul3A_628 = arith.muli %scan3A_626, %mul3A_627 : i32
      %get3A_629 = arith.index_cast %mul3A_628 : i32 to index
      %get3A_630 = tpu.vector_load %arg5[%get3A_629] {strides = array<i32>} : memref<15632xf32, #tpu.memory_space<vmem>>, vector<16xf32>,
      %get3A_631 = vector.shape_cast %get3A_630 : vector<16xf32> to vector<16xf32>
      %add3A_632 = arith.constant 1 : i32
      %add3A_633 = arith.addi %mul3A_628, %add3A_632 : i32
      %get3A_634 = arith.index_cast %add3A_633 : i32 to index
      %get3A_635 = tpu.vector_load %arg5[%get3A_634] {strides = array<i32>} : memref<15632xf32, #tpu.memory_space<vmem>>, vector<16xf32>,
      %get3A_636 = vector.shape_cast %get3A_635 : vector<16xf32> to vector<16xf32>
      %mul3A_637 = arith.constant 1.00000102E-6 : f32
      %mul3A_638 = vector.broadcast %mul3A_637 : f32 to vector<16xf32>
      %mul3A_639 = arith.mulf %add3A_624, %mul3A_638 : vector<16xf32>
      %add3A_640 = arith.constant 1.000000e+00 : f32
      %add3A_641 = vector.broadcast %add3A_640 : f32 to vector<16xf32>
      %add3A_642 = arith.addf %add3A_624, %add3A_641 : vector<16xf32>
      %mul3A_643 = arith.constant 1.00000102E-6 : f32
      %mul3A_644 = vector.broadcast %mul3A_643 : f32 to vector<16xf32>
      %mul3A_645 = arith.mulf %add3A_642, %mul3A_644 : vector<16xf32>
      %sub3A_646 = arith.subf %mul3A_645, %mul3A_639 : vector<16xf32>
      %mul3A_647 = arith.constant 0.899999976 : f32
      %mul3A_648 = vector.broadcast %mul3A_647 : f32 to vector<16xf32>
      %mul3A_649 = arith.mulf %mul3A_648, %sub3A_646 : vector<16xf32>
      %sub3A_650 = arith.subf %get3A_631, %get3A_636 : vector<16xf32>
      %max3A_651 = arith.constant 0.000000e+00 : f32
      %max3A_652 = vector.broadcast %max3A_651 : f32 to vector<16xf32>
      %max3A_653 = arith.maximumf %sub3A_650, %max3A_652 : vector<16xf32>
      %mul3A_654 = arith.mulf %max3A_653, %mul3A_649 : vector<16xf32>
      %add3A_655 = arith.constant 9.99999997E-7 : f32
      %add3A_656 = vector.broadcast %add3A_655 : f32 to vector<16xf32>
      %add3A_657 = arith.addf %mul3A_649, %add3A_656 : vector<16xf32>
      %div3A_658 = arith.divf %mul3A_654, %add3A_657 : vector<16xf32>
      %add3A_659 = arith.addf %add3A_620, %div3A_658 : vector<16xf32>
      %add3A_660 = arith.addf %add3A_621, %mul3A_654 : vector<16xf32>
      %add3A_661 = arith.constant 1.600000e+01 : f32
      %add3A_662 = vector.broadcast %add3A_661 : f32 to vector<16xf32>
      %add3A_663 = arith.addf %add3A_624, %add3A_662 : vector<16xf32>
      %scan3A_664 = arith.constant 15 : i32
      %scan3A_665 = arith.addi %scan3A_79, %scan3A_664 : i32
      %mul3A_666 = arith.constant 16 : i32
      %mul3A_667 = arith.muli %scan3A_665, %mul3A_666 : i32
      %get3A_668 = arith.index_cast %mul3A_667 : i32 to index
      %get3A_669 = tpu.vector_load %arg5[%get3A_668] {strides = array<i32>} : memref<15632xf32, #tpu.memory_space<vmem>>, vector<16xf32>,
      %get3A_670 = vector.shape_cast %get3A_669 : vector<16xf32> to vector<16xf32>
      %add3A_671 = arith.constant 1 : i32
      %add3A_672 = arith.addi %mul3A_667, %add3A_671 : i32
      %get3A_673 = arith.index_cast %add3A_672 : i32 to index
      %get3A_674 = tpu.vector_load %arg5[%get3A_673] {strides = array<i32>} : memref<15632xf32, #tpu.memory_space<vmem>>, vector<16xf32>,
      %get3A_675 = vector.shape_cast %get3A_674 : vector<16xf32> to vector<16xf32>
      %mul3A_676 = arith.constant 1.00000102E-6 : f32
      %mul3A_677 = vector.broadcast %mul3A_676 : f32 to vector<16xf32>
      %mul3A_678 = arith.mulf %add3A_663, %mul3A_677 : vector<16xf32>
      %add3A_679 = arith.constant 1.000000e+00 : f32
      %add3A_680 = vector.broadcast %add3A_679 : f32 to vector<16xf32>
      %add3A_681 = arith.addf %add3A_663, %add3A_680 : vector<16xf32>
      %mul3A_682 = arith.constant 1.00000102E-6 : f32
      %mul3A_683 = vector.broadcast %mul3A_682 : f32 to vector<16xf32>
      %mul3A_684 = arith.mulf %add3A_681, %mul3A_683 : vector<16xf32>
      %sub3A_685 = arith.subf %mul3A_684, %mul3A_678 : vector<16xf32>
      %mul3A_686 = arith.constant 0.899999976 : f32
      %mul3A_687 = vector.broadcast %mul3A_686 : f32 to vector<16xf32>
      %mul3A_688 = arith.mulf %mul3A_687, %sub3A_685 : vector<16xf32>
      %sub3A_689 = arith.subf %get3A_670, %get3A_675 : vector<16xf32>
      %max3A_690 = arith.constant 0.000000e+00 : f32
      %max3A_691 = vector.broadcast %max3A_690 : f32 to vector<16xf32>
      %max3A_692 = arith.maximumf %sub3A_689, %max3A_691 : vector<16xf32>
      %mul3A_693 = arith.mulf %max3A_692, %mul3A_688 : vector<16xf32>
      %add3A_694 = arith.constant 9.99999997E-7 : f32
      %add3A_695 = vector.broadcast %add3A_694 : f32 to vector<16xf32>
      %add3A_696 = arith.addf %mul3A_688, %add3A_695 : vector<16xf32>
      %div3A_697 = arith.divf %mul3A_693, %add3A_696 : vector<16xf32>
      %add3A_698 = arith.addf %add3A_659, %div3A_697 : vector<16xf32>
      %add3A_699 = arith.addf %add3A_660, %mul3A_693 : vector<16xf32>
      %add3A_700 = arith.constant 1.600000e+01 : f32
      %add3A_701 = vector.broadcast %add3A_700 : f32 to vector<16xf32>
      %add3A_702 = arith.addf %add3A_663, %add3A_701 : vector<16xf32>
      scf.yield %add3A_698, %add3A_699, %add3A_702 : vector<16xf32>, vector<16xf32>, vector<16xf32>
    }
    %scan3A_49 = arith.constant 976 : i32
    %dma_wait3A_50 = arith.constant 0 : i32
    %dma_wait3A_51 = tpu.memref_slice %arg6[%dma_wait3A_50] : memref<592xf32, #tpu.memory_space<vmem>> -> memref<576xf32, #tpu.memory_space<vmem>>
    %dma_wait3A_52 = arith.constant 999424 : i32
    %dma_wait3A_53 = tpu.memref_slice %arg2[%dma_wait3A_52] : memref<1000000xf32, #tpu.memory_space<hbm>> -> memref<576xf32, #tpu.memory_space<hbm>>
    %dma_wait3A_54 = arith.constant 0 : i32
    %dma_wait3A_55 = tpu.memref_slice %arg6[%dma_wait3A_54] : memref<592xf32, #tpu.memory_space<vmem>> -> memref<576xf32, #tpu.memory_space<vmem>>
    %dma_wait3A_56 = arith.constant 999424 : i32
    %dma_wait3A_57 = tpu.memref_slice %arg2[%dma_wait3A_56] : memref<1000000xf32, #tpu.memory_space<hbm>> -> memref<576xf32, #tpu.memory_space<hbm>>
    tpu.wait_dma2 semaphore(%arg10 : memref<!tpu.dma_semaphore, #tpu.memory_space<semaphore_mem>>) src(%dma_wait3A_57 : memref<576xf32, #tpu.memory_space<hbm>>) dst(%dma_wait3A_55 : memref<576xf32, #tpu.memory_space<vmem>>)
    %sub3A = arith.constant 1 : i32
    %sub3A_58 = arith.subi %sub3A, %add3A : i32
    %max3A = arith.constant 0 : i32
    %max3A_59 = arith.maxsi %sub3A_58, %max3A : i32
    %min3A = arith.constant 1 : i32
    %min3A_60 = arith.minsi %max3A_59, %min3A : i32
    %convert_element_type3A_61 = arith.sitofp %min3A_60 : i32 to f32
    %add3A_62 = arith.constant 9.994240e+05 : f32
    %add3A_63 = vector.broadcast %add3A_62 : f32 to vector<16xf32>
    %add3A_64 = arith.addf %convert_element_type3A, %add3A_63 : vector<16xf32>
    %scan3A_65 = arith.constant 0 : i32
    %scan3A_66 = arith.constant 36 : i32
    %scan3A_67 = arith.addi %scan3A_65, %scan3A_66 : i32
    %scan3A_68 = arith.constant 4 : i32
    %scan3A_69:3 = scf.for %scan3A_79 = %scan3A_65 to %scan3A_67 step %scan3A_68 iter_args(%scan3A_80 = %scan3A_48#0, %scan3A_81 = %scan3A_48#1, %scan3A_82 = %add3A_64) -> (vector<16xf32>, vector<16xf32>, vector<16xf32>)  : i32 {
      %mul3A_83 = arith.constant 16 : i32
      %mul3A_84 = arith.muli %scan3A_79, %mul3A_83 : i32
      %get3A = arith.index_cast %mul3A_84 : i32 to index
      %get3A_85 = tpu.vector_load %arg6[%get3A] {strides = array<i32>} : memref<592xf32, #tpu.memory_space<vmem>>, vector<16xf32>,
      %get3A_86 = vector.shape_cast %get3A_85 : vector<16xf32> to vector<16xf32>
      %add3A_87 = arith.constant 1 : i32
      %add3A_88 = arith.addi %mul3A_84, %add3A_87 : i32
      %get3A_89 = arith.index_cast %add3A_88 : i32 to index
      %get3A_90 = tpu.vector_load %arg6[%get3A_89] {strides = array<i32>} : memref<592xf32, #tpu.memory_space<vmem>>, vector<16xf32>,
      %get3A_91 = vector.shape_cast %get3A_90 : vector<16xf32> to vector<16xf32>
      %mul3A_92 = arith.constant 1.00000102E-6 : f32
      %mul3A_93 = vector.broadcast %mul3A_92 : f32 to vector<16xf32>
      %mul3A_94 = arith.mulf %scan3A_82, %mul3A_93 : vector<16xf32>
      %add3A_95 = arith.constant 1.000000e+00 : f32
      %add3A_96 = vector.broadcast %add3A_95 : f32 to vector<16xf32>
      %add3A_97 = arith.addf %scan3A_82, %add3A_96 : vector<16xf32>
      %mul3A_98 = arith.constant 1.00000102E-6 : f32
      %mul3A_99 = vector.broadcast %mul3A_98 : f32 to vector<16xf32>
      %mul3A_100 = arith.mulf %add3A_97, %mul3A_99 : vector<16xf32>
      %sub3A_101 = arith.subf %mul3A_100, %mul3A_94 : vector<16xf32>
      %mul3A_102 = arith.constant 0.899999976 : f32
      %mul3A_103 = vector.broadcast %mul3A_102 : f32 to vector<16xf32>
      %mul3A_104 = arith.mulf %mul3A_103, %sub3A_101 : vector<16xf32>
      %sub3A_105 = arith.subf %get3A_86, %get3A_91 : vector<16xf32>
      %max3A_106 = arith.constant 0.000000e+00 : f32
      %max3A_107 = vector.broadcast %max3A_106 : f32 to vector<16xf32>
      %max3A_108 = arith.maximumf %sub3A_105, %max3A_107 : vector<16xf32>
      %mul3A_109 = arith.mulf %max3A_108, %mul3A_104 : vector<16xf32>
      %add3A_110 = arith.constant 9.99999997E-7 : f32
      %add3A_111 = vector.broadcast %add3A_110 : f32 to vector<16xf32>
      %add3A_112 = arith.addf %mul3A_104, %add3A_111 : vector<16xf32>
      %div3A = arith.divf %mul3A_109, %add3A_112 : vector<16xf32>
      %add3A_113 = vector.broadcast %mul3A_84 : i32 to vector<16xi32>
      %add3A_114 = arith.addi %add3A_113, %iota3A : vector<16xi32>
      %sub3A_115 = arith.constant 575 : i32
      %sub3A_116 = vector.broadcast %sub3A_115 : i32 to vector<16xi32>
      %sub3A_117 = arith.subi %sub3A_116, %add3A_114 : vector<16xi32>
      %max3A_118 = arith.constant 0 : i32
      %max3A_119 = vector.broadcast %max3A_118 : i32 to vector<16xi32>
      %max3A_120 = arith.maxsi %sub3A_117, %max3A_119 : vector<16xi32>
      %min3A_121 = arith.constant 1 : i32
      %min3A_122 = vector.broadcast %min3A_121 : i32 to vector<16xi32>
      %min3A_123 = arith.minsi %max3A_120, %min3A_122 : vector<16xi32>
      %convert_element_type3A_124 = arith.sitofp %min3A_123 : vector<16xi32> to vector<16xf32>
      %mul3A_125 = vector.broadcast %convert_element_type3A_61 : f32 to vector<16xf32>
      %mul3A_126 = arith.mulf %convert_element_type3A_124, %mul3A_125 : vector<16xf32>
      %mul3A_127 = arith.mulf %div3A, %mul3A_126 : vector<16xf32>
      %add3A_128 = arith.addf %scan3A_80, %mul3A_127 : vector<16xf32>
      %mul3A_129 = arith.mulf %mul3A_109, %mul3A_126 : vector<16xf32>
      %add3A_130 = arith.addf %scan3A_81, %mul3A_129 : vector<16xf32>
      %add3A_131 = arith.constant 1.600000e+01 : f32
      %add3A_132 = vector.broadcast %add3A_131 : f32 to vector<16xf32>
      %add3A_133 = arith.addf %scan3A_82, %add3A_132 : vector<16xf32>
      %scan3A_134 = arith.constant 1 : i32
      %scan3A_135 = arith.addi %scan3A_79, %scan3A_134 : i32
      %mul3A_136 = arith.constant 16 : i32
      %mul3A_137 = arith.muli %scan3A_135, %mul3A_136 : i32
      %get3A_138 = arith.index_cast %mul3A_137 : i32 to index
      %get3A_139 = tpu.vector_load %arg6[%get3A_138] {strides = array<i32>} : memref<592xf32, #tpu.memory_space<vmem>>, vector<16xf32>,
      %get3A_140 = vector.shape_cast %get3A_139 : vector<16xf32> to vector<16xf32>
      %add3A_141 = arith.constant 1 : i32
      %add3A_142 = arith.addi %mul3A_137, %add3A_141 : i32
      %get3A_143 = arith.index_cast %add3A_142 : i32 to index
      %get3A_144 = tpu.vector_load %arg6[%get3A_143] {strides = array<i32>} : memref<592xf32, #tpu.memory_space<vmem>>, vector<16xf32>,
      %get3A_145 = vector.shape_cast %get3A_144 : vector<16xf32> to vector<16xf32>
      %mul3A_146 = arith.constant 1.00000102E-6 : f32
      %mul3A_147 = vector.broadcast %mul3A_146 : f32 to vector<16xf32>
      %mul3A_148 = arith.mulf %add3A_133, %mul3A_147 : vector<16xf32>
      %add3A_149 = arith.constant 1.000000e+00 : f32
      %add3A_150 = vector.broadcast %add3A_149 : f32 to vector<16xf32>
      %add3A_151 = arith.addf %add3A_133, %add3A_150 : vector<16xf32>
      %mul3A_152 = arith.constant 1.00000102E-6 : f32
      %mul3A_153 = vector.broadcast %mul3A_152 : f32 to vector<16xf32>
      %mul3A_154 = arith.mulf %add3A_151, %mul3A_153 : vector<16xf32>
      %sub3A_155 = arith.subf %mul3A_154, %mul3A_148 : vector<16xf32>
      %mul3A_156 = arith.constant 0.899999976 : f32
      %mul3A_157 = vector.broadcast %mul3A_156 : f32 to vector<16xf32>
      %mul3A_158 = arith.mulf %mul3A_157, %sub3A_155 : vector<16xf32>
      %sub3A_159 = arith.subf %get3A_140, %get3A_145 : vector<16xf32>
      %max3A_160 = arith.constant 0.000000e+00 : f32
      %max3A_161 = vector.broadcast %max3A_160 : f32 to vector<16xf32>
      %max3A_162 = arith.maximumf %sub3A_159, %max3A_161 : vector<16xf32>
      %mul3A_163 = arith.mulf %max3A_162, %mul3A_158 : vector<16xf32>
      %add3A_164 = arith.constant 9.99999997E-7 : f32
      %add3A_165 = vector.broadcast %add3A_164 : f32 to vector<16xf32>
      %add3A_166 = arith.addf %mul3A_158, %add3A_165 : vector<16xf32>
      %div3A_167 = arith.divf %mul3A_163, %add3A_166 : vector<16xf32>
      %add3A_168 = vector.broadcast %mul3A_137 : i32 to vector<16xi32>
      %add3A_169 = arith.addi %add3A_168, %iota3A : vector<16xi32>
      %sub3A_170 = arith.constant 575 : i32
      %sub3A_171 = vector.broadcast %sub3A_170 : i32 to vector<16xi32>
      %sub3A_172 = arith.subi %sub3A_171, %add3A_169 : vector<16xi32>
      %max3A_173 = arith.constant 0 : i32
      %max3A_174 = vector.broadcast %max3A_173 : i32 to vector<16xi32>
      %max3A_175 = arith.maxsi %sub3A_172, %max3A_174 : vector<16xi32>
      %min3A_176 = arith.constant 1 : i32
      %min3A_177 = vector.broadcast %min3A_176 : i32 to vector<16xi32>
      %min3A_178 = arith.minsi %max3A_175, %min3A_177 : vector<16xi32>
      %convert_element_type3A_179 = arith.sitofp %min3A_178 : vector<16xi32> to vector<16xf32>
      %mul3A_180 = vector.broadcast %convert_element_type3A_61 : f32 to vector<16xf32>
      %mul3A_181 = arith.mulf %convert_element_type3A_179, %mul3A_180 : vector<16xf32>
      %mul3A_182 = arith.mulf %div3A_167, %mul3A_181 : vector<16xf32>
      %add3A_183 = arith.addf %add3A_128, %mul3A_182 : vector<16xf32>
      %mul3A_184 = arith.mulf %mul3A_163, %mul3A_181 : vector<16xf32>
      %add3A_185 = arith.addf %add3A_130, %mul3A_184 : vector<16xf32>
      %add3A_186 = arith.constant 1.600000e+01 : f32
      %add3A_187 = vector.broadcast %add3A_186 : f32 to vector<16xf32>
      %add3A_188 = arith.addf %add3A_133, %add3A_187 : vector<16xf32>
      %scan3A_189 = arith.constant 2 : i32
      %scan3A_190 = arith.addi %scan3A_79, %scan3A_189 : i32
      %mul3A_191 = arith.constant 16 : i32
      %mul3A_192 = arith.muli %scan3A_190, %mul3A_191 : i32
      %get3A_193 = arith.index_cast %mul3A_192 : i32 to index
      %get3A_194 = tpu.vector_load %arg6[%get3A_193] {strides = array<i32>} : memref<592xf32, #tpu.memory_space<vmem>>, vector<16xf32>,
      %get3A_195 = vector.shape_cast %get3A_194 : vector<16xf32> to vector<16xf32>
      %add3A_196 = arith.constant 1 : i32
      %add3A_197 = arith.addi %mul3A_192, %add3A_196 : i32
      %get3A_198 = arith.index_cast %add3A_197 : i32 to index
      %get3A_199 = tpu.vector_load %arg6[%get3A_198] {strides = array<i32>} : memref<592xf32, #tpu.memory_space<vmem>>, vector<16xf32>,
      %get3A_200 = vector.shape_cast %get3A_199 : vector<16xf32> to vector<16xf32>
      %mul3A_201 = arith.constant 1.00000102E-6 : f32
      %mul3A_202 = vector.broadcast %mul3A_201 : f32 to vector<16xf32>
      %mul3A_203 = arith.mulf %add3A_188, %mul3A_202 : vector<16xf32>
      %add3A_204 = arith.constant 1.000000e+00 : f32
      %add3A_205 = vector.broadcast %add3A_204 : f32 to vector<16xf32>
      %add3A_206 = arith.addf %add3A_188, %add3A_205 : vector<16xf32>
      %mul3A_207 = arith.constant 1.00000102E-6 : f32
      %mul3A_208 = vector.broadcast %mul3A_207 : f32 to vector<16xf32>
      %mul3A_209 = arith.mulf %add3A_206, %mul3A_208 : vector<16xf32>
      %sub3A_210 = arith.subf %mul3A_209, %mul3A_203 : vector<16xf32>
      %mul3A_211 = arith.constant 0.899999976 : f32
      %mul3A_212 = vector.broadcast %mul3A_211 : f32 to vector<16xf32>
      %mul3A_213 = arith.mulf %mul3A_212, %sub3A_210 : vector<16xf32>
      %sub3A_214 = arith.subf %get3A_195, %get3A_200 : vector<16xf32>
      %max3A_215 = arith.constant 0.000000e+00 : f32
      %max3A_216 = vector.broadcast %max3A_215 : f32 to vector<16xf32>
      %max3A_217 = arith.maximumf %sub3A_214, %max3A_216 : vector<16xf32>
      %mul3A_218 = arith.mulf %max3A_217, %mul3A_213 : vector<16xf32>
      %add3A_219 = arith.constant 9.99999997E-7 : f32
      %add3A_220 = vector.broadcast %add3A_219 : f32 to vector<16xf32>
      %add3A_221 = arith.addf %mul3A_213, %add3A_220 : vector<16xf32>
      %div3A_222 = arith.divf %mul3A_218, %add3A_221 : vector<16xf32>
      %add3A_223 = vector.broadcast %mul3A_192 : i32 to vector<16xi32>
      %add3A_224 = arith.addi %add3A_223, %iota3A : vector<16xi32>
      %sub3A_225 = arith.constant 575 : i32
      %sub3A_226 = vector.broadcast %sub3A_225 : i32 to vector<16xi32>
      %sub3A_227 = arith.subi %sub3A_226, %add3A_224 : vector<16xi32>
      %max3A_228 = arith.constant 0 : i32
      %max3A_229 = vector.broadcast %max3A_228 : i32 to vector<16xi32>
      %max3A_230 = arith.maxsi %sub3A_227, %max3A_229 : vector<16xi32>
      %min3A_231 = arith.constant 1 : i32
      %min3A_232 = vector.broadcast %min3A_231 : i32 to vector<16xi32>
      %min3A_233 = arith.minsi %max3A_230, %min3A_232 : vector<16xi32>
      %convert_element_type3A_234 = arith.sitofp %min3A_233 : vector<16xi32> to vector<16xf32>
      %mul3A_235 = vector.broadcast %convert_element_type3A_61 : f32 to vector<16xf32>
      %mul3A_236 = arith.mulf %convert_element_type3A_234, %mul3A_235 : vector<16xf32>
      %mul3A_237 = arith.mulf %div3A_222, %mul3A_236 : vector<16xf32>
      %add3A_238 = arith.addf %add3A_183, %mul3A_237 : vector<16xf32>
      %mul3A_239 = arith.mulf %mul3A_218, %mul3A_236 : vector<16xf32>
      %add3A_240 = arith.addf %add3A_185, %mul3A_239 : vector<16xf32>
      %add3A_241 = arith.constant 1.600000e+01 : f32
      %add3A_242 = vector.broadcast %add3A_241 : f32 to vector<16xf32>
      %add3A_243 = arith.addf %add3A_188, %add3A_242 : vector<16xf32>
      %scan3A_244 = arith.constant 3 : i32
      %scan3A_245 = arith.addi %scan3A_79, %scan3A_244 : i32
      %mul3A_246 = arith.constant 16 : i32
      %mul3A_247 = arith.muli %scan3A_245, %mul3A_246 : i32
      %get3A_248 = arith.index_cast %mul3A_247 : i32 to index
      %get3A_249 = tpu.vector_load %arg6[%get3A_248] {strides = array<i32>} : memref<592xf32, #tpu.memory_space<vmem>>, vector<16xf32>,
      %get3A_250 = vector.shape_cast %get3A_249 : vector<16xf32> to vector<16xf32>
      %add3A_251 = arith.constant 1 : i32
      %add3A_252 = arith.addi %mul3A_247, %add3A_251 : i32
      %get3A_253 = arith.index_cast %add3A_252 : i32 to index
      %get3A_254 = tpu.vector_load %arg6[%get3A_253] {strides = array<i32>} : memref<592xf32, #tpu.memory_space<vmem>>, vector<16xf32>,
      %get3A_255 = vector.shape_cast %get3A_254 : vector<16xf32> to vector<16xf32>
      %mul3A_256 = arith.constant 1.00000102E-6 : f32
      %mul3A_257 = vector.broadcast %mul3A_256 : f32 to vector<16xf32>
      %mul3A_258 = arith.mulf %add3A_243, %mul3A_257 : vector<16xf32>
      %add3A_259 = arith.constant 1.000000e+00 : f32
      %add3A_260 = vector.broadcast %add3A_259 : f32 to vector<16xf32>
      %add3A_261 = arith.addf %add3A_243, %add3A_260 : vector<16xf32>
      %mul3A_262 = arith.constant 1.00000102E-6 : f32
      %mul3A_263 = vector.broadcast %mul3A_262 : f32 to vector<16xf32>
      %mul3A_264 = arith.mulf %add3A_261, %mul3A_263 : vector<16xf32>
      %sub3A_265 = arith.subf %mul3A_264, %mul3A_258 : vector<16xf32>
      %mul3A_266 = arith.constant 0.899999976 : f32
      %mul3A_267 = vector.broadcast %mul3A_266 : f32 to vector<16xf32>
      %mul3A_268 = arith.mulf %mul3A_267, %sub3A_265 : vector<16xf32>
      %sub3A_269 = arith.subf %get3A_250, %get3A_255 : vector<16xf32>
      %max3A_270 = arith.constant 0.000000e+00 : f32
      %max3A_271 = vector.broadcast %max3A_270 : f32 to vector<16xf32>
      %max3A_272 = arith.maximumf %sub3A_269, %max3A_271 : vector<16xf32>
      %mul3A_273 = arith.mulf %max3A_272, %mul3A_268 : vector<16xf32>
      %add3A_274 = arith.constant 9.99999997E-7 : f32
      %add3A_275 = vector.broadcast %add3A_274 : f32 to vector<16xf32>
      %add3A_276 = arith.addf %mul3A_268, %add3A_275 : vector<16xf32>
      %div3A_277 = arith.divf %mul3A_273, %add3A_276 : vector<16xf32>
      %add3A_278 = vector.broadcast %mul3A_247 : i32 to vector<16xi32>
      %add3A_279 = arith.addi %add3A_278, %iota3A : vector<16xi32>
      %sub3A_280 = arith.constant 575 : i32
      %sub3A_281 = vector.broadcast %sub3A_280 : i32 to vector<16xi32>
      %sub3A_282 = arith.subi %sub3A_281, %add3A_279 : vector<16xi32>
      %max3A_283 = arith.constant 0 : i32
      %max3A_284 = vector.broadcast %max3A_283 : i32 to vector<16xi32>
      %max3A_285 = arith.maxsi %sub3A_282, %max3A_284 : vector<16xi32>
      %min3A_286 = arith.constant 1 : i32
      %min3A_287 = vector.broadcast %min3A_286 : i32 to vector<16xi32>
      %min3A_288 = arith.minsi %max3A_285, %min3A_287 : vector<16xi32>
      %convert_element_type3A_289 = arith.sitofp %min3A_288 : vector<16xi32> to vector<16xf32>
      %mul3A_290 = vector.broadcast %convert_element_type3A_61 : f32 to vector<16xf32>
      %mul3A_291 = arith.mulf %convert_element_type3A_289, %mul3A_290 : vector<16xf32>
      %mul3A_292 = arith.mulf %div3A_277, %mul3A_291 : vector<16xf32>
      %add3A_293 = arith.addf %add3A_238, %mul3A_292 : vector<16xf32>
      %mul3A_294 = arith.mulf %mul3A_273, %mul3A_291 : vector<16xf32>
      %add3A_295 = arith.addf %add3A_240, %mul3A_294 : vector<16xf32>
      %add3A_296 = arith.constant 1.600000e+01 : f32
      %add3A_297 = vector.broadcast %add3A_296 : f32 to vector<16xf32>
      %add3A_298 = arith.addf %add3A_243, %add3A_297 : vector<16xf32>
      scf.yield %add3A_293, %add3A_295, %add3A_298 : vector<16xf32>, vector<16xf32>, vector<16xf32>
    }
    %scan3A_70 = arith.constant 36 : i32
    %swap3A_71 = arith.constant 0 : index
    %swap3A_72 = tpu.vector_load %arg7[%swap3A_71] {strides = array<i32>} : memref<32xf32, #tpu.memory_space<vmem>>, vector<16xf32>,
    %swap3A_73 = vector.shape_cast %swap3A_72 : vector<16xf32> to vector<16xf32>
    %swap3A_74 = vector.shape_cast %scan3A_69#0 : vector<16xf32> to vector<16xf32>
    tpu.vector_store %arg7[%swap3A_71], %swap3A_74 {strides = array<i32>} : memref<32xf32, #tpu.memory_space<vmem>>, vector<16xf32>,
    %swap3A_75 = arith.constant 16 : index
    %swap3A_76 = tpu.vector_load %arg7[%swap3A_75] {strides = array<i32>} : memref<32xf32, #tpu.memory_space<vmem>>, vector<16xf32>,
    %swap3A_77 = vector.shape_cast %swap3A_76 : vector<16xf32> to vector<16xf32>
    %swap3A_78 = vector.shape_cast %scan3A_69#1 : vector<16xf32> to vector<16xf32>
    tpu.vector_store %arg7[%swap3A_75], %swap3A_78 {strides = array<i32>} : memref<32xf32, #tpu.memory_space<vmem>>, vector<16xf32>,
    "tpu.region"() ({
      %run_scoped3A = tpu.sem_alloc : memref<!tpu.dma_semaphore, #tpu.memory_space<semaphore_mem>>
      %dma_start3A_79 = arith.constant 0 : i32
      %dma_start3A_80 = tpu.memref_slice %arg3[%add3A, %dma_start3A_79] : memref<32x32xf32, #tpu.memory_space<hbm>> -> memref<1x32xf32, #tpu.memory_space<hbm>>
      %dma_start3A_81 = tpu.memref_squeeze %dma_start3A_80 : memref<1x32xf32, #tpu.memory_space<hbm>> -> memref<32xf32, #tpu.memory_space<hbm>>
      %dma_start3A_82 = arith.constant 0 : i32
      %dma_start3A_83 = tpu.memref_slice %arg3[%add3A, %dma_start3A_82] : memref<32x32xf32, #tpu.memory_space<hbm>> -> memref<1x32xf32, #tpu.memory_space<hbm>>
      %dma_start3A_84 = tpu.memref_squeeze %dma_start3A_83 : memref<1x32xf32, #tpu.memory_space<hbm>> -> memref<32xf32, #tpu.memory_space<hbm>>
      tpu.enqueue_dma source(%arg7 : memref<32xf32, #tpu.memory_space<vmem>>) target(%dma_start3A_84 : memref<32xf32, #tpu.memory_space<hbm>>) target_semaphore(%run_scoped3A : memref<!tpu.dma_semaphore, #tpu.memory_space<semaphore_mem>>)
      %dma_wait3A_85 = arith.constant 0 : i32
      %dma_wait3A_86 = tpu.memref_slice %arg3[%add3A, %dma_wait3A_85] : memref<32x32xf32, #tpu.memory_space<hbm>> -> memref<1x32xf32, #tpu.memory_space<hbm>>
      %dma_wait3A_87 = tpu.memref_squeeze %dma_wait3A_86 : memref<1x32xf32, #tpu.memory_space<hbm>> -> memref<32xf32, #tpu.memory_space<hbm>>
      %dma_wait3A_88 = arith.constant 0 : i32
      %dma_wait3A_89 = tpu.memref_slice %arg3[%add3A, %dma_wait3A_88] : memref<32x32xf32, #tpu.memory_space<hbm>> -> memref<1x32xf32, #tpu.memory_space<hbm>>
      %dma_wait3A_90 = tpu.memref_squeeze %dma_wait3A_89 : memref<1x32xf32, #tpu.memory_space<hbm>> -> memref<32xf32, #tpu.memory_space<hbm>>
      tpu.wait_dma2 semaphore(%run_scoped3A : memref<!tpu.dma_semaphore, #tpu.memory_space<semaphore_mem>>) src(%arg7 : memref<32xf32, #tpu.memory_space<vmem>>) dst(%dma_wait3A_90 : memref<32xf32, #tpu.memory_space<hbm>>)
      tpu.yield
    }) : () -> ()
    return
  }
}

module attributes {stable_mosaic.version = 14 : i64} {
  func.func @_combine(%arg0: memref<32x32xf32, #tpu.memory_space<vmem>>, %arg1: memref<1x1xf32, #tpu.memory_space<smem>>) attributes {dimension_semantics = [], scalar_prefetch = 0 : i64, scratch_operands = 0 : i64, tpu.core_type = #tpu.core_type<tc>} {
    %get3A = arith.constant 0 : index
    %get3A_0 = arith.constant 0 : index
    %get3A_1 = vector.load %arg0[%get3A, %get3A_0] : memref<32x32xf32, #tpu.memory_space<vmem>>, vector<32x32xf32>
    %slice3A = vector.extract_strided_slice %get3A_1 {offsets = [0, 0], sizes = [32, 16], strides = [1, 1]} : vector<32x32xf32> to vector<32x16xf32>
    %reduce_sum3A = vector.shape_cast %slice3A : vector<32x16xf32> to vector<1x32x16xf32>
    %reduce_sum3A_2 = arith.constant dense<0.000000e+00> : vector<1xf32>
    %reduce_sum3A_3 = vector.multi_reduction <add>, %reduce_sum3A, %reduce_sum3A_2 [1, 2] : vector<1x32x16xf32> to vector<1xf32>
    %reduce_sum3A_4 = vector.shape_cast %reduce_sum3A_3 : vector<1xf32> to vector<1x1x1xf32>
    %reduce_sum3A_5 = vector.extract %reduce_sum3A_4[0, 0, 0] : f32 from vector<1x1x1xf32>
    %slice3A_6 = vector.extract_strided_slice %get3A_1 {offsets = [0, 16], sizes = [32, 16], strides = [1, 1]} : vector<32x32xf32> to vector<32x16xf32>
    %reduce_sum3A_7 = vector.shape_cast %slice3A_6 : vector<32x16xf32> to vector<1x32x16xf32>
    %reduce_sum3A_8 = arith.constant dense<0.000000e+00> : vector<1xf32>
    %reduce_sum3A_9 = vector.multi_reduction <add>, %reduce_sum3A_7, %reduce_sum3A_8 [1, 2] : vector<1x32x16xf32> to vector<1xf32>
    %reduce_sum3A_10 = vector.shape_cast %reduce_sum3A_9 : vector<1xf32> to vector<1x1x1xf32>
    %reduce_sum3A_11 = vector.extract %reduce_sum3A_10[0, 0, 0] : f32 from vector<1x1x1xf32>
    %add3A = arith.constant 9.99999974E-6 : f32
    %add3A_12 = arith.addf %reduce_sum3A_5, %add3A : f32
    %div3A = arith.divf %reduce_sum3A_5, %add3A_12 : f32
    %div3A_13 = arith.divf %reduce_sum3A_11, %add3A_12 : f32
    %mul3A = arith.constant 1.000000e-03 : f32
    %mul3A_14 = arith.mulf %mul3A, %div3A_13 : f32
    %add3A_15 = arith.addf %div3A, %mul3A_14 : f32
    %mul3A_16 = arith.constant 1.000000e+02 : f32
    %mul3A_17 = arith.mulf %mul3A_16, %add3A_15 : f32
    %swap3A = arith.constant 0 : index
    %swap3A_18 = arith.constant 0 : index
    %swap3A_19 = memref.load %arg1[%swap3A, %swap3A_18] : memref<1x1xf32, #tpu.memory_space<smem>>
    memref.store %mul3A_17, %arg1[%swap3A, %swap3A_18] : memref<1x1xf32, #tpu.memory_space<smem>>
    return
  }
}

</mosaic_0001>

<sc_bundles>
// kernel: kernel.4.cloned.1.call-start
scs
__scs_entry_jumppad:
0x0: {  	(pc) =	sbr.rel $0x88, $3  }
0x1: {  	(tag) =	ssettag $0x0;
	lr =	simm.s32 $0x1  }
0x2: {  	[smem:$0x3FA0] =	sst lr;
	_ =	strace $0xD0000000  }
0x3: {  	_ = 	snop  }
0x4: {  	_ = 	snop  }
0x5: {  	_ = 	snop  }
0x6: {  	_ = 	snop  }
0x7: {  	_ = 	snop  }
__scs_overlays_trampoline_lowered:
0x8: {  	[smem:$0x3FAF] =	sst s0  }
0x9: {  	[smem:$0x3FB0] =	sst s1  }
0xa: {  	[smem:$0x3FB1] =	sst s2  }
0xb: {  	[smem:$0x3FB2] =	sst s3  }
0xc: {  	[smem:$0x3FB3] =	sst s4  }
0xd: {  	[smem:$0x3FB4] =	sst s5  }
0xe: {  	[smem:$0x3FB5] =	sst s6  }
0xf: {  	[smem:$0x3FB6] =	sst s7  }
0x10: {  	[smem:$0x3FB7] =	sst s8  }
0x11: {  	[smem:$0x3FB8] =	sst s9;
	s0 =	simm.s32 @!p0 $0x0  }
0x12: {  	s1 =	sld [smem:$0x3F9E];
	s0 =	simm.s32 @p0 $0x1  }
0x13: {  	[smem:$0x3FB9] =	sst s0;
	s0 =	simm.s32 @!p1 $0x0  }
0x14: {  	s2 =	sld [smem:$0x3F9D];
	s0 =	simm.s32 @p1 $0x1  }
0x15: {  	[smem:$0x3FBA] =	sst s0;
	s0 =	simm.s32 @!p2 $0x0  }
0x16: {  	s3 =	sld [smem:$0x3FDB];
	s0 =	simm.s32 @p2 $0x1  }
0x17: {  	s4 =	simm.s32 $0x1BF5;
	[smem:$0x3FBC] =	sst s0  }
0x18: {  	s0 =	sld [smem:$0x3F9F];
	_ =	swait.ge [sflag:s4], $0x0  }
0x19: {  	s7 =	sld [smem:$0x3FA0]  }
0x1a: {  	s8 =	sadd.s32 $0xFFFFE003, lr  }
0x1b: {  	s9 =	sadd.s32 $0xFFFFFEF7, lr;
	s5 =	simm.s32 $0xFFFFFFFF;
	p2 =	slt.u32 s8, $0xFFFFF086  }
0x1c: {  	p1 =	slt.u32 s9, $0xF7A;
	s5 =	simm.s32 @!p2 $0x0  }
0x1d: {  	s5 =	simm.s32 @p1 $0x1;
	p0 =	seq.s32 s7, s2  }
0x1e: {  	s7 =	smul.u32 @!p0 $0xF7A, s2;
	p2 =	seq.s32 @!p0 s5, $0x0  }
0x1f: {  	s9 =	smul.u32 $0xF7A, s1;
	s8 =	simm.s32 @!p0 $0x1BF5;
	p2 =	por !p2, p0  }
0x20: {  	[sflag:s8] =	ssyncset.s32 @!p0 $0xFFFFF086;
	s6 =	sadd.s32 @!p0 s3, s7;
	s7 =	simm.s32 @!p0 $0x108  }
0x21: {  	s3 =	sadd.s32 s3, s9;
	s6 =	sadd.s32 @!p0 $0x88, s6;
	s7 =	simm.s32 @p2 $0x1082  }
0x22: {  	[simem:s7], [sflag:s8] =	dma.local @!p0 [hbm:s6], $0xF7A  }
0x23: {  	s9 =	sor.u32 $0xD0000000, s2;
	s6 =	simm.s32 $0x108;
	_ =	swait.ge @!p0 [sflag:s8], $0x0  }
0x24: {  	s3 =	sadd.s32 $0x88, s3;
	s6 =	simm.s32 @!p1 $0x1082;
	[sflag:s4] =	ssyncset.s32 $0xFFFFF086  }
0x25: {  	[simem:s6], [sflag:s4] =	dma.local [hbm:s3], $0xF7A  }
0x26: {  	[smem:$0x3FA0] =	sst s1;
	(tag) =	ssettag s2;
	_ =	strace s9  }
0x27: {  	s1 =	sld [smem:$0x3FB0]  }
0x28: {  	s2 =	sld [smem:$0x3FB1]  }
0x29: {  	s4 =	sld [smem:$0x3FB3]  }
0x2a: {  	p0 =	seq.s32 s5, $0x0;
	s5 =	sld [smem:$0x3FB4]  }
0x2b: {  	s6 =	sld [smem:$0x3FB5]  }
0x2c: {  	s7 =	sld [smem:$0x3FB6]  }
0x2d: {  	s3 =	simm.s32 $0x108;
	s8 =	sld [smem:$0x3FB7]  }
0x2e: {  	s3 =	simm.s32 @!p0 $0x1082;
	s9 =	sld [smem:$0x3FB8]  }
0x2f: {  	lr =	sadd.s32 s0, s3;
	s0 =	sld [smem:$0x3FAF]  }
0x30: {  	s3 =	sld [smem:$0x3FB2]  }
0x31: {  	[smem:$0x3FBB] =	sst s10  }
0x32: {  	s10 =	sld [smem:$0x3FB9];
	_ =	sdelay $0x3  }
0x33: {  	p0 =	seq.s32 s10, $0x1;
	s10 =	sld [smem:$0x3FBB];
	_ =	sdelay $0x3  }
0x34: {  	[smem:$0x3FBB] =	sst s10  }
0x35: {  	s10 =	sld [smem:$0x3FBA];
	_ =	sdelay $0x3  }
0x36: {  	p1 =	seq.s32 s10, $0x1;
	s10 =	sld [smem:$0x3FBB];
	_ =	sdelay $0x3  }
0x37: {  	[smem:$0x3FBB] =	sst s10  }
0x38: {  	s10 =	sld [smem:$0x3FBC]  }
0x39: {  	_ = 	snop;
	(pc) =	sbr.ind lr, $3  }
0x3a: {  	_ = 	snop  }
0x3b: {  	_ = 	snop  }
0x3c: {  	p2 =	seq.s32 s10, $0x1;
	s10 =	sld [smem:$0x3FBB]  }
0x3d: {  	_ =	shalt  }
0x3e: {  	_ =	shalt  }
0x3f: {  	_ =	shalt  }
0x40: {  	_ =	shalt  }
0x41: {  	_ =	shalt  }
0x42: {  	_ =	shalt  }
0x43: {  	_ =	shalt  }
0x44: {  	_ =	shalt  }
0x45: {  	_ =	shalt  }
0x46: {  	_ =	shalt  }
0x47: {  	_ =	shalt  }
0x48: {  	_ =	shalt  }
0x49: {  	_ =	shalt  }
0x4a: {  	_ =	shalt  }
0x4b: {  	_ =	shalt  }
0x4c: {  	_ =	shalt  }
0x4d: {  	_ =	shalt  }
0x4e: {  	_ =	shalt  }
0x4f: {  	_ =	shalt  }
0x50: {  	_ =	shalt  }
0x51: {  	_ =	shalt  }
0x52: {  	_ =	shalt  }
0x53: {  	_ =	shalt  }
0x54: {  	_ =	shalt  }
0x55: {  	_ =	shalt  }
0x56: {  	_ =	shalt  }
0x57: {  	_ =	shalt  }
0x58: {  	_ =	shalt  }
0x59: {  	_ =	shalt  }
0x5a: {  	_ =	shalt  }
0x5b: {  	_ =	shalt  }
0x5c: {  	_ =	shalt  }
0x5d: {  	_ =	shalt  }
0x5e: {  	_ =	shalt  }
0x5f: {  	_ =	shalt  }
0x60: {  	_ =	shalt  }
0x61: {  	_ =	shalt  }
0x62: {  	_ =	shalt  }
0x63: {  	_ =	shalt  }
0x64: {  	_ =	shalt  }
0x65: {  	_ =	shalt  }
0x66: {  	_ =	shalt  }
0x67: {  	_ =	shalt  }
0x68: {  	_ =	shalt  }
0x69: {  	_ =	shalt  }
0x6a: {  	_ =	shalt  }
0x6b: {  	_ =	shalt  }
0x6c: {  	_ =	shalt  }
0x6d: {  	_ =	shalt  }
0x6e: {  	_ =	shalt  }
0x6f: {  	_ =	shalt  }
0x70: {  	_ =	shalt  }
0x71: {  	_ =	shalt  }
0x72: {  	_ =	shalt  }
0x73: {  	_ =	shalt  }
0x74: {  	_ =	shalt  }
0x75: {  	_ =	shalt  }
0x76: {  	_ =	shalt  }
0x77: {  	_ =	shalt  }
0x78: {  	_ =	shalt  }
0x79: {  	_ =	shalt  }
0x7a: {  	_ =	shalt  }
0x7b: {  	_ =	shalt  }
0x7c: {  	_ =	shalt  }
0x7d: {  	_ =	shalt  }
0x7e: {  	_ =	shalt  }
0x7f: {  	_ =	shalt  }
0x80: {  	_ =	shalt  }
0x81: {  	_ =	shalt  }
0x82: {  	_ =	shalt  }
0x83: {  	_ =	shalt  }
0x84: {  	_ =	shalt  }
0x85: {  	_ =	shalt  }
0x86: {  	_ =	shalt  }
0x87: {  	_ =	shalt  }
.Lfunc_end0:
.L_simem_size_0:
called_computation_lowered:
.L_overlay_start_0:
0x88: {  	s2 =	sld [smem:$0x3FD9]  }
0x89: {  	s3 =	sld [smem:$0x3FFE];
	_ =	sdelay $0x1  }
0x8a: {  	s1 =	srdreg.scid  }
0x8b: {  	s0 =	sand.u32 $0x1, s1  }
0x8c: {  	s17 =	sshll.u32 s0, $0xA;
	s2 =	sadd.s32 s3, s2  }
0x8d: {  	s2 =	sadd.s32 s2, s17  }
0x8e: {  	[smem:$0x3FC7] =	sst s2  }
0x8f: {  	_ = 	snop  }
0x90: {  	s2 =	sld [smem:$0x3FC9];
	(tm) =	ssettm $0x1  }
0x91: {  	s18 =	sld [smem:$0x3FFB];
	_ =	sdelay $0x3  }
0x92: {  	_ =	strace s18  }
0x93: {  	s3 =	sld [smem:$0x3FFC];
	_ =	sdelay $0x3  }
0x94: {  	_ =	strace s3  }
0x95: {  	s3 =	sld [smem:$0x3FFD];
	_ =	sdelay $0x3  }
0x96: {  	_ =	strace s3  }
0x97: {  	_ =	strace $0x8FFFFFFF  }
0x98: {  	s19 =	sld [smem:$0x3FDB];
	_ =	sdelay $0x1  }
0x99: {  	s4 =	simm.s32 $_scs_section_size  }
0x9a: {  	s5 =	simm.s32 $_size__tile_overlayer_lowered;
	s6 =	simm.s32 $_tile_overlayer_lowered  }
0x9b: {  	s22 =	simm.s32 $0x1BFF;
	s21 =	sshll.u32 s6, $0x1;
	s3 =	sadd.s32 s4, s19  }
0x9c: {  	s7 =	simm.s32 $0x0;
	s20 =	sshll.u32 s5, $0x1;
	s5 =	sadd.s32 s21, s3  }
0x9d: {  	[timem:s7], [sflag:s22] =	dma.local [hbm:s5], s20  }
0x9e: {  	_ =	swait.ge [sflag:s22], s20  }
0x9f: {  	s4 =	ssub.s32 $0x0, s20;
	[sflag:s22] =	ssyncset.done $0x0  }
0xa0: {  	[sflag:s22] =	ssyncadd.s32 s4;
	_ =	sdelay $0x1  }
0xa1: {  	s23 =	simm.s32 $0x1B8B  }
0xa2: {  	_ =	swait.ge [sflag:s23], $0x1  }
0xa3: {  	[sflag:s23] =	ssyncset.done $0x0  }
0xa4: {  	s25 =	simm.s32 $0x1B8E;
	s24 =	sld [smem:$0x3FFE];
	[sflag:s23] =	ssyncadd.s32 $0xFFFFFFFF  }
0xa5: {  	s26 =	simm.s32 $execute0_lowered;
	[smem:$0x3FD2] =	sst s25  }
0xa6: {  	s5 =	sshll.u32 s26, $0x1;
	_ =	strace $0x80000046;
	[dreg:$0x1] =	wrdreg $0xFFFFFFFF  }
0xa7: {  	s28 =	simm.s32 $_size_execute0_lowered;
	s3 =	sadd.s32 s3, s5;
	[dreg:$0x0] =	wrdreg $0x0  }
0xa8: {  	s5 =	sshll.u32 s28, $0x1;
	[dreg:$0x2] =	wrdreg s3  }
0xa9: {  	[dreg:$0x3] =	wrdreg s5  }
0xaa: {  	[dreg:$0x4] =	wrdreg $0xC0  }
0xab: {  	_ =	task [dreg:s7], $0x5FFFF  }
0xac: {  	[dreg:$0x1] =	wrdreg $0xFFFFFFFF  }
0xad: {  	[dreg:$0x0] =	wrdreg $0x60  }
0xae: {  	[dreg:$0x2] =	wrdreg s2  }
0xaf: {  	[dreg:$0x3] =	wrdreg s24  }
0xb0: {  	[dreg:$0x4] =	wrdreg $0x9  }
0xb1: {  	_ =	task.clear_ibuf [dreg:s7], $0x5FFFF;
	_ =	strace $0x90000046  }
0xb2: {  	s29 =	simm.s32 $0x9;
	_ =	strace $0x80000048  }
0xb3: {  	_ =	swait.ge [sflag:s29], $0x1  }
0xb4: {  	[sflag:s29] =	ssyncadd.s32 $0xFFFFFFFF  }
0xb5: {  	_ =	strace $0x90000048  }
0xb6: {  	_ =	sfence  }
0xb7: {  	s30 =	sld [smem:$0x0];
	_ =	sdelay $0x2  }
0xb8: {  	s31 =	sshll.u32 s1, $0xD;
	s1 =	sshrl.u32 s1, $0x2  }
0xb9: {  	s3 =	sand.u32 $0x4000, s31;
	s1 =	sadd.s32 s1, s30  }
0xba: {  	s0 =	sor.u32 s3, s0;
	s1 =	sshll.u32 s1, $0x11  }
0xbb: {  	s0 =	sor.u32 s1, s0  }
0xbc: {  	s0 =	sadd.s32 $0x8F2B, s0  }
0xbd: {  	[sflag:s0] =	ssyncadd.remote.s32 $0x1  }
0xbe: {  	_ =	sfence.sel $0xFFFF  }
0xbf: {  	[dreg:$0x0] =	wrdreg $0xFFFFFFFF;
	(pc) =	sbr.abs _section_cstart, $3  }
0xc0: {  	[dreg:$0x1] =	wrdreg $0xFFFFFFFF  }
0xc1: {  	_ =	task.clear_ibuf [dreg:s7], $0x2FFFF;
	_ =	strace $0x9FFFFFFF  }
0xc2: {  	(tm) =	ssettm $0x7FFFFFFF  }
0xc3: {  	_ =	shalt  }
tec
execute0_lowered:
.L_overlay_start_1:
0x0: {  	(tag) =	ssettag $0x1  }
0x1: {  	v0 =	vimm.f32 $1.500000000e+01  }
0x2: {  	vm0 =	vcmask $0x300;
	vm1 =	vcmask $0x704;
	vm2 =	vcmask $0xB08  }
0x3: {  	vm3 =	vcmask $0xF0C;
	v1 =	vimm.f32 $9.994390000e+05;
	v0 =	vsel vm0, $0x0, v0  }
0x4: {  	vm4 =	vcmask $0x1310;
	v1 =	vsel vm0, $0x49740000, v1;
	v0 =	vsel vm1, $0x3F800000, v0  }
0x5: {  	vm14 =	vcmask $0x1714;
	v1 =	vsel vm1, $0x49740010, v1;
	v0 =	vsel vm2, $0x40000000, v0  }
0x6: {  	vm15 =	vcmask $0x1B18;
	v1 =	vsel vm2, $0x49740020, v1;
	v0 =	vsel vm3, $0x40400000, v0  }
0x7: {  	s5 =	rddreg [dreg:$0x0];
	s1 =	srdreg.scid;
	vm8 =	vcmask $0x1F1C;
	v1 =	vsel vm3, $0x49740030, v1;
	v0 =	vsel vm4, $0x40800000, v0  }
0x8: {  	s0 =	stileid.u32;
	s3 =	rddreg [dreg:$0x1];
	s2 =	simm.s32 $0x0;
	vm9 =	vcmask $0x2320;
	v1 =	vsel vm4, $0x49740040, v1;
	v0 =	vsel vm14, $0x40A00000, v0  }
0x9: {  	vm10 =	vcmask $0x2724;
	s11 =	simm.f32 $1.000000000e+00;
	s13 =	simm.s32 $0x7D80;
	s14 =	simm.s32 $0x4;
	v1 =	vsel vm14, $0x49740050, v1;
	v0 =	vsel vm15, $0x40C00000, v0  }
0xa: {  	vm11 =	vcmask $0x2B28;
	s4 =	sand.u32 $0x1, s1;
	s6 =	sshll.u32 s0, $0x1;
	[smem:$0x7FF] =	sst s2;
	v1 =	vsel vm15, $0x49740060, v1;
	v0 =	vsel vm8, $0x40E00000, v0  }
0xb: {  	vm12 =	vcmask $0x2F2C;
	s1 =	rddreg [dreg:$0x2];
	s6 =	sor.u32 s4, s6;
	_ =	strace $0x80000047;
	v1 =	vsel vm8, $0x49740070, v1;
	v0 =	vsel vm9, $0x41000000, v0  }
0xc: {  	vm13 =	vcmask $0x3330;
	s15 =	simm.s32 $0x0;
	s4 =	ssub.s32 $0x2, s4;
	s7 =	smul.u32 $0x7A00, s6;
	v1 =	vsel vm9, $0x49740080, v1;
	v0 =	vsel vm10, $0x41100000, v0  }
0xd: {  	v3 =	vlaneseq.u32;
	s8 =	sshll.u32 s6, $0x4;
	s29 =	sshrl.u32 s4, $0x1;
	p0 =	seq.s32 s6, $0x0;
	v1 =	vsel vm10, $0x49740090, v1;
	v0 =	vsel vm11, $0x41200000, v0  }
0xe: {  	v5 =	vmul.u32 $0xFFFFFFFF, v3;
	s8 =	sadd.s32 s8, s3;
	s10 =	ssub.s32 s4, s29;
	s11 =	simm.s32 @!p0 $0x0;
	v1 =	vsel vm11, $0x497400A0, v1;
	v0 =	vsel vm12, $0x41300000, v0  }
0xf: {  	s9 =	sadd.s32 $0x3D00, s7;
	s30 =	sshrl.u32 s7, $0x3;
	s7 =	scvt.s32.f32 s7;
	vm14 =	vcmask $0x3734;
	v1 =	vsel vm12, $0x497400B0, v1;
	v0 =	vsel vm13, $0x41400000, v0  }
0x10: {  	s6 =	sadd.s32 $0x600, s8;
	s8 =	simm.s32 $0x3D80;
	s31 =	sshrl.u32 s9, $0x3;
	vm15 =	vcmask $0x3B38;
	v4 =	vsel vm13, $0x497400C0, v1;
	v0 =	vsel vm14, $0x41500000, v0  }
0x11: {  	s3 =	sadd.s32 s5, s30;
	s12 =	scvt.s32.f32 s9;
	s9 =	simm.s32 $0x7B00;
	v3 =	vsel vm14, $0x497400D0, v4;
	v2 =	vsel vm15, $0x41600000, v0  }
0x12: {  	s4 =	sadd.s32 s5, s31;
	s5 =	sadd.s32 $0x1E800, s5;
	v4 =	vadd.s32 $0x23F, v5;
	v5 =	vimm.s32 $0x0;
	v0 =	vadd.f32 s7, v2;
	s7 =	smax.u32 s10, $0x1  }
0x13: {  	v3 =	vsel vm15, $0x497400E0, v3;
	v1 =	vadd.f32 s12, v2;
	v2 =	vmov s11;
	s10 =	simm.s32 $0x1;
	s11 =	simm.s32 $0x2;
	s12 =	simm.s32 $0x3  }
.LBB2_1:
0x14: {  	[tilespmem:s2], [sflag:$0x1] =	stream.linear.gather [hbm4b:s3+s2], $0x3D10, $0x38;
	[tilespmem:$0x7E00] =	vst v63  }
0x15: {  	_ = 	snop  }
0x16: {  	v13 =	vimm.f32 $0.0e+00;
	[tilespmem:s8], [sflag:$0x2] =	stream.linear.gather [hbm4b:s4+s2], $0x3D10, $0x38;
	[tilespmem:$0x7E00] =	vst v63  }
0x17: {  	[tilespmem:$0x7D40] =	vst v13  }
0x18: {  	[tilespmem:s9], [sflag:$0x3] =	stream.linear.gather [hbm4b:s5+s2], $0x240, $0x38;
	[tilespmem:$0x7E00] =	vst v63  }
0x19: {  	_ =	swait.ge [sflag:s10], $0x3D10  }
0x1a: {  	[sflag:s10] =	ssyncset.done $0x0  }
0x1b: {  	s16 =	simm.s32 $0x80;
	[sflag:s10] =	ssyncadd.s32 $0xFFFFC2F0  }
0x1c: {  	v6 =	vld [tilespmem:s16+$0x61]  }
0x1d: {  	v15 =	vld [tilespmem:s16+$0x11]  }
0x1e: {  	v16 =	vld [tilespmem:s16+$0x10]  }
0x1f: {  	v8 =	vld [tilespmem:s16+$0x71]  }
0x20: {  	v9 =	vld [tilespmem:s16+$0x51]  }
0x21: {  	v11 =	vld [tilespmem:s16+$0x41]  }
0x22: {  	v12 =	vld [tilespmem:s16+$0xFFFFFFF1]  }
0x23: {  	v14 =	vld [tilespmem:s16+$0x70]  }
0x24: {  	v7 =	vld [tilespmem:s16+$0x60]  }
0x25: {  	v10 =	vld [tilespmem:s16+$0x50]  }
0x26: {  	v17 =	vld [tilespmem:s16+$0x40]  }
0x27: {  	v18 =	vld [tilespmem:s16+$0x31]  }
0x28: {  	v19 =	vld [tilespmem:s16+$0x30]  }
0x29: {  	v20 =	vld [tilespmem:s16+$0x1]  }
0x2a: {  	v21 =	vld [tilespmem:s16+$0xFFFFFFD0]  }
0x2b: {  	v22 =	vld [tilespmem:s16+$0x21]  }
0x2c: {  	v23 =	vld [tilespmem:s16+$0x0]  }
0x2d: {  	v25 =	vld [tilespmem:s16+$0xFFFFFFD1]  }
0x2e: {  	v26 =	vld [tilespmem:s16+$0xFFFFFFF0]  }
0x2f: {  	v24 =	vld [tilespmem:s16+$0x20];
	v7 =	vsub.f32 v7, v6  }
0x30: {  	v27 =	vld [tilespmem:s16+$0xFFFFFF81];
	v10 =	vsub.f32 v10, v9;
	v6 =	vsub.f32 v14, v8  }
0x31: {  	v9 =	vsub.f32 v17, v11;
	v17 =	vld [tilespmem:s16+$0xFFFFFFE1];
	v8 =	vsub.f32 v19, v18  }
0x32: {  	v18 =	vsub.f32 v23, v20;
	v19 =	vld [tilespmem:s16+$0xFFFFFFE0];
	v23 =	vadd.f32 $1.600000000e+01, v0  }
0x33: {  	v20 =	vld [tilespmem:s16+$0xFFFFFF80];
	v14 =	vsub.f32 v21, v25;
	v25 =	vsub.f32 v26, v12  }
0x34: {  	v21 =	vld [tilespmem:s16+$0xFFFFFFC0];
	v11 =	vsub.f32 v24, v22;
	v22 =	vadd.f32 $1.000000000e+00, v0  }
0x35: {  	v24 =	vld [tilespmem:s16+$0xFFFFFFC1];
	v15 =	vsub.f32 v16, v15;
	v12 =	vmax.f32 v18, $0.0e+00;
	v18 =	vmul.f32 $1.000001020e-06, v0  }
0x36: {  	v26 =	vadd.f32 $1.600000000e+01, v23;
	v16 =	vmul.f32 $1.000001020e-06, v22;
	v22 =	vadd.f32 $1.000000000e+00, v23  }
0x37: {  	v14 =	vmax.f32 v14, $0.0e+00;
	v15 =	vmax.f32 v15, $0.0e+00;
	v25 =	vmax.f32 v25, $0.0e+00  }
0x38: {  	v16 =	vsub.f32 v16, v18;
	v18 =	vmul.f32 $1.000001020e-06, v22;
	v22 =	vadd.f32 $1.000000000e+00, v26  }
0x39: {  	v17 =	vsub.f32 v19, v17;
	v19 =	vsub.f32 v20, v27;
	v20 =	vmul.f32 $1.000001020e-06, v23  }
0x3a: {  	v28 =	vld [tilespmem:s16+$0xFFFFFFB0];
	v27 =	vmul.f32 $1.000001020e-06, v26;
	v26 =	vadd.f32 $1.600000000e+01, v26;
	v21 =	vsub.f32 v21, v24  }
0x3b: {  	v23 =	vld [tilespmem:s16+$0xFFFFFFB1];
	v16 =	vmul.f32 $8.999999760e-01, v16;
	v18 =	vsub.f32 v18, v20;
	v20 =	vmul.f32 $1.000001020e-06, v22  }
0x3c: {  	v22 =	vmul.f32 $1.000001020e-06, v26;
	v24 =	vadd.f32 $1.000000000e+00, v26;
	v26 =	vadd.f32 $1.600000000e+01, v26  }
0x3d: {  	v19 =	vmax.f32 v19, $0.0e+00;
	v21 =	vmax.f32 v21, $0.0e+00;
	v29 =	vadd.f32 $9.999999970e-07, v16  }
0x3e: {  	v30 =	vld [tilespmem:s16+$0xFFFFFF91];
	v16 =	vmul.f32 v19, v16;
	v18 =	vmul.f32 $8.999999760e-01, v18;
	v20 =	vsub.f32 v20, v27  }
0x3f: {  	v27 =	vld [tilespmem:s16+$0xFFFFFF90];
	v24 =	vmul.f32 $1.000001020e-06, v24;
	v31 =	vadd.f32 $1.000000000e+00, v26;
	v32 =	vadd.f32 $1.600000000e+01, v26  }
0x40: {  	v26 =	vmul.f32 $1.000001020e-06, v26;
	v23 =	vsub.f32 v28, v23;
	(erf) = vrcp.f32 v29  }
0x41: {  	v33 =	vadd.f32 $9.999999970e-07, v18;
	v20 =	vmul.f32 $8.999999760e-01, v20;
	v22 =	vsub.f32 v24, v22  }
0x42: {  	v24 =	vmul.f32 $1.000001020e-06, v31;
	v28 =	vadd.f32 $1.600000000e+01, v32;
	v31 =	vmax.f32 v17, $0.0e+00  }
0x43: {  	v34 =	vmul.f32 $1.000001020e-06, v32;
	v32 =	vadd.f32 $1.000000000e+00, v32;
	v23 =	vmax.f32 v23, $0.0e+00  }
0x44: {  	(erf) = vrcp.f32 v33;
	v17 =	vsub.f32 v27, v30;
	v30 =	vadd.f32 $1.000000000e+00, v28  }
0x45: {  	v29 =	vadd.f32 $9.999999970e-07, v20;
	v22 =	vmul.f32 $8.999999760e-01, v22;
	v24 =	vsub.f32 v24, v26  }
0x46: {  	v27 =	vmul.f32 $1.000001020e-06, v28;
	v28 =	vadd.f32 $1.600000000e+01, v28;
	v30 =	vmul.f32 $1.000001020e-06, v30  }
0x47: {  	v26 =	vld [tilespmem:s16+$0xFFFFFFA1];
	v54 =	vadd.f32 $9.999999970e-07, v22;
	(erf) = vrcp.f32 v29;
	v22 =	vmul.f32 v23, v22  }
0x48: {  	v23 =	vmul.f32 $8.999999760e-01, v24;
	v24 =	vadd.f32 $1.600000000e+01, v28;
	v27 =	vsub.f32 v30, v27;
	v30 =	vld [tilespmem:s16+$0xFFFFFFA0]  }
0x49: {  	v32 =	vmul.f32 $1.000001020e-06, v32;
	v17 =	vmax.f32 v17, $0.0e+00;
	(erf) = vrcp.f32 v54  }
0x4a: {  	v29 =	vmul.f32 $1.000001020e-06, v28;
	v28 =	vadd.f32 $1.000000000e+00, v28;
	v36 =	vadd.f32 $1.600000000e+01, v24  }
0x4b: {  	v55 =	vadd.f32 $9.999999970e-07, v23;
	v17 =	vmul.f32 v17, v18;
	v27 =	vmul.f32 $8.999999760e-01, v27  }
0x4c: {  	v35 =	vmul.f32 $1.000001020e-06, v24;
	v28 =	vmul.f32 $1.000001020e-06, v28;
	v37 =	vadd.f32 $1.000000000e+00, v36  }
0x4d: {  	(erf) = vrcp.f32 v55;
	v18 =	vadd.f32 $9.999999970e-07, v27;
	v19 =	vsub.f32 v30, v26  }
0x4e: {  	v37 =	vmul.f32 $1.000001020e-06, v37;
	v26 =	vsub.f32 v28, v29;
	v29 =	vpop (erf);
	v30 =	vadd.f32 v16, v13  }
0x4f: {  	v28 =	vmul.f32 $1.000001020e-06, v36;
	v36 =	vadd.f32 $1.600000000e+01, v36;
	v56 =	vpop (erf);
	v16 =	vmul.f32 v16, v29  }
0x50: {  	v19 =	vmax.f32 v19, $0.0e+00;
	v29 =	vmul.f32 v17, v56;
	v17 =	vadd.f32 v17, v30  }
0x51: {  	v26 =	vmul.f32 $8.999999760e-01, v26;
	v38 =	vpop (erf);
	v28 =	vsub.f32 v37, v28;
	v58 =	vadd.f32 $1.600000000e+01, v36  }
0x52: {  	v19 =	vmul.f32 v19, v20;
	v20 =	vadd.f32 $1.000000000e+00, v24;
	v24 =	vpop (erf);
	v13 =	vadd.f32 v16, v13  }
0x53: {  	v57 =	vadd.f32 $9.999999970e-07, v26;
	v16 =	vmul.f32 v22, v24;
	v24 =	vmul.f32 $1.000001020e-06, v36  }
0x54: {  	v28 =	vmul.f32 $8.999999760e-01, v28;
	v59 =	vadd.f32 $1.000000000e+00, v58;
	v29 =	vadd.f32 v29, v13  }
0x55: {  	v20 =	vmul.f32 $1.000001020e-06, v20;
	v30 =	vmul.f32 v19, v38;
	v17 =	vadd.f32 v19, v17  }
0x56: {  	v19 =	vadd.f32 $1.000000000e+00, v36;
	(erf) = vrcp.f32 v57;
	v13 =	vmul.f32 v15, v28  }
0x57: {  	v15 =	vadd.f32 $9.999999970e-07, v28;
	(erf) = vrcp.f32 v18;
	v18 =	vsub.f32 v32, v34  }
0x58: {  	v28 =	vmul.f32 $1.000001020e-06, v58;
	v20 =	vsub.f32 v20, v35;
	v29 =	vadd.f32 v30, v29  }
0x59: {  	v19 =	vmul.f32 $1.000001020e-06, v19;
	v30 =	vadd.f32 $1.600000000e+01, v58;
	v32 =	vmul.f32 $1.000001020e-06, v59  }
0x5a: {  	v22 =	vadd.f32 v22, v17;
	(erf) = vrcp.f32 v15;
	v17 =	vmul.f32 $8.999999760e-01, v20  }
0x5b: {  	v15 =	vsub.f32 v19, v24;
	v19 =	vadd.f32 $1.000000000e+00, v30;
	v18 =	vmul.f32 $8.999999760e-01, v18  }
0x5c: {  	v20 =	vsub.f32 v32, v28;
	v28 =	vadd.f32 v16, v29;
	v16 =	vmul.f32 v21, v23  }
0x5d: {  	v24 =	vadd.f32 $1.600000000e+01, v30;
	v30 =	vmul.f32 $1.000001020e-06, v30;
	v23 =	vmul.f32 v25, v26  }
0x5e: {  	v19 =	vmul.f32 $1.000001020e-06, v19;
	v21 =	vmul.f32 v14, v18  }
0x5f: {  	v15 =	vmul.f32 $8.999999760e-01, v15;
	v14 =	vadd.f32 $1.000000000e+00, v24;
	v18 =	vadd.f32 $9.999999970e-07, v18  }
0x60: {  	v29 =	vadd.f32 $9.999999970e-07, v17;
	v60 =	vmul.f32 $1.000001020e-06, v24;
	v61 =	vadd.f32 $1.600000000e+01, v24  }
0x61: {  	v62 =	vadd.f32 v16, v22;
	v24 =	vmul.f32 v31, v27;
	(erf) = vrcp.f32 v18  }
0x62: {  	v14 =	vmul.f32 $1.000001020e-06, v14;
	v19 =	vsub.f32 v19, v30;
	v63 =	vadd.f32 $9.999999970e-07, v15  }
0x63: {  	v26 =	vmul.f32 $1.000001020e-06, v61;
	v30 =	vadd.f32 $1.000000000e+00, v61;
	v18 =	vpop (erf);
	(erf) = vrcp.f32 v29  }
0x64: {  	v14 =	vsub.f32 v14, v60;
	v29 =	vadd.f32 $1.600000000e+01, v61;
	v19 =	vmul.f32 $8.999999760e-01, v19  }
0x65: {  	v31 =	vmul.f32 $1.000001020e-06, v30;
	v30 =	vadd.f32 v21, v62;
	v22 =	vpop (erf);
	v18 =	vmul.f32 v16, v18  }
0x66: {  	v16 =	vmul.f32 $8.999999760e-01, v20;
	(erf) = vrcp.f32 v63;
	v25 =	vpop (erf);
	v32 =	vadd.f32 $1.000000000e+00, v29  }
0x67: {  	v33 =	vadd.f32 $9.999999970e-07, v19;
	v20 =	vpop (erf);
	v25 =	vmul.f32 v24, v25;
	v27 =	vadd.f32 v18, v28  }
0x68: {  	s17 =	simm.s32 $0x180;
	s16 =	simm.s32 $0x0;
	v28 =	vadd.f32 $9.999999970e-07, v16;
	v18 =	vmul.f32 v13, v20;
	v20 =	vmul.f32 $8.999999760e-01, v14  }
.LBB2_2:
0x69: {  	v14 =	vld [tilespmem:s17+$0xFFFFFFB1];
	s16 =	sadd.s32 $0x10, s16;
	v12 =	vmul.f32 v12, v17;
	v10 =	vmax.f32 v10, $0.0e+00;
	v17 =	vmul.f32 $1.000001020e-06, v29  }
0x6a: {  	v34 =	vld [tilespmem:s17+$0x61];
	p0 =	slt.u32 s16, $0x3C0;
	v24 =	vadd.f32 v24, v30;
	v30 =	vmul.f32 $1.000001020e-06, v32;
	v32 =	vpop (erf);
	(erf) = vrcp.f32 v33  }
0x6b: {  	v22 =	vmul.f32 v23, v22;
	v29 =	vadd.f32 $1.600000000e+01, v29;
	v33 =	vld [tilespmem:s17+$0x11];
	v21 =	vmul.f32 v21, v32  }
0x6c: {  	v9 =	vmax.f32 v9, $0.0e+00;
	v32 =	vld [tilespmem:s17+$0x10];
	v23 =	vadd.f32 v23, v24;
	v24 =	vadd.f32 $9.999999970e-07, v20;
	v35 =	vpop (erf)  }
0x6d: {  	v26 =	vsub.f32 v31, v26;
	v36 =	vld [tilespmem:s17+$0x71];
	v21 =	vadd.f32 v21, v27;
	(erf) = vrcp.f32 v28  }
0x6e: {  	v11 =	vmax.f32 v11, $0.0e+00;
	v27 =	vld [tilespmem:s17+$0x51];
	v28 =	vadd.f32 v12, v23;
	(erf) = vrcp.f32 v24  }
0x6f: {  	v17 =	vsub.f32 v30, v17;
	v24 =	vld [tilespmem:s17+$0x41];
	v21 =	vadd.f32 v25, v21;
	v25 =	vmul.f32 $8.999999760e-01, v26  }
0x70: {  	v11 =	vmul.f32 v11, v15;
	v12 =	vmul.f32 v12, v35;
	v26 =	vld [tilespmem:s17+$0xFFFFFFF1];
	v13 =	vadd.f32 v13, v28  }
0x71: {  	v17 =	vmul.f32 $8.999999760e-01, v17;
	v15 =	vld [tilespmem:s17+$0x70];
	v21 =	vadd.f32 v22, v21;
	v22 =	vadd.f32 $9.999999970e-07, v25;
	v23 =	vpop (erf)  }
0x72: {  	v28 =	vld [tilespmem:s17+$0x60];
	v23 =	vmul.f32 v11, v23;
	v11 =	vadd.f32 v11, v13;
	v13 =	vmul.f32 v9, v19  }
0x73: {  	v30 =	vadd.f32 $9.999999970e-07, v17;
	v19 =	vmul.f32 v10, v20;
	v9 =	vld [tilespmem:s17+$0x50];
	v12 =	vadd.f32 v12, v21;
	v20 =	vpop (erf)  }
0x74: {  	v8 =	vmax.f32 v8, $0.0e+00;
	v7 =	vmax.f32 v7, $0.0e+00;
	v21 =	vld [tilespmem:s17+$0x40];
	(erf) = vrcp.f32 v22  }
0x75: {  	v8 =	vmul.f32 v8, v16;
	v22 =	vld [tilespmem:s17+$0x31];
	v12 =	vadd.f32 v18, v12;
	(erf) = vrcp.f32 v30  }
0x76: {  	v18 =	vmul.f32 v13, v20;
	v20 =	vmul.f32 v7, v25;
	v16 =	vld [tilespmem:s17+$0x30];
	v10 =	vpop (erf)  }
0x77: {  	v25 =	vld [tilespmem:s17+$0x1];
	v7 =	vsub.f32 v28, v34;
	v12 =	vadd.f32 v23, v12;
	v23 =	vmul.f32 v8, v10;
	v28 =	vpop (erf)  }
0x78: {  	v15 =	vsub.f32 v15, v36;
	v30 =	vld [tilespmem:s17+$0xFFFFFFD0];
	v10 =	vsub.f32 v9, v27;
	v27 =	vmul.f32 v19, v28  }
0x79: {  	v28 =	vld [tilespmem:s17+$0x21];
	v9 =	vsub.f32 v21, v24;
	v12 =	vadd.f32 v23, v12  }
0x7a: {  	v11 =	vadd.f32 v8, v11;
	v21 =	vld [tilespmem:s17+$0x0]  }
0x7b: {  	v23 =	vld [tilespmem:s17+$0x20];
	v8 =	vsub.f32 v16, v22;
	v12 =	vadd.f32 v18, v12  }
0x7c: {  	v11 =	vadd.f32 v13, v11;
	v22 =	vmax.f32 v6, $0.0e+00;
	v6 =	vmov v15;
	v16 =	vld [tilespmem:s17+$0xFFFFFFD1]  }
0x7d: {  	v15 =	vmul.f32 v22, v17;
	v18 =	vld [tilespmem:s17+$0xFFFFFF81];
	v12 =	vadd.f32 v27, v12;
	v13 =	vpop (erf)  }
0x7e: {  	v11 =	vadd.f32 v19, v11;
	v17 =	vld [tilespmem:s17+$0xFFFFFFF0];
	v13 =	vmul.f32 v20, v13;
	v19 =	vpop (erf)  }
0x7f: {  	v22 =	vld [tilespmem:s17+$0xFFFFFF80];
	v21 =	vsub.f32 v21, v25  }
0x80: {  	v11 =	vadd.f32 v20, v11;
	v24 =	vld [tilespmem:s17+$0xFFFFFFE1];
	v12 =	vadd.f32 v13, v12;
	v13 =	vmul.f32 v15, v19  }
0x81: {  	v19 =	vadd.f32 $1.600000000e+01, v29;
	v16 =	vsub.f32 v30, v16;
	v20 =	vld [tilespmem:s17+$0xFFFFFFE0]  }
0x82: {  	v25 =	vadd.f32 v15, v11;
	v13 =	vadd.f32 v13, v12  }
0x83: {  	v11 =	vsub.f32 v23, v28;
	v27 =	vld [tilespmem:s17+$0xFFFFFFC0];
	v17 =	vsub.f32 v17, v26  }
0x84: {  	v23 =	vadd.f32 $1.000000000e+00, v29;
	v12 =	vmax.f32 v21, $0.0e+00;
	v15 =	vmax.f32 v16, $0.0e+00;
	v26 =	vld [tilespmem:s17+$0xFFFFFFC1]  }
0x85: {  	v21 =	vmul.f32 $1.000001020e-06, v29;
	v28 =	vadd.f32 $1.600000000e+01, v19;
	v16 =	vsub.f32 v32, v33  }
0x86: {  	v23 =	vmul.f32 $1.000001020e-06, v23;
	v29 =	vadd.f32 $1.000000000e+00, v19;
	v20 =	vsub.f32 v20, v24  }
0x87: {  	v19 =	vmul.f32 $1.000001020e-06, v19;
	v18 =	vsub.f32 v22, v18;
	v16 =	vmax.f32 v16, $0.0e+00  }
0x88: {  	v21 =	vsub.f32 v23, v21;
	v22 =	vmul.f32 $1.000001020e-06, v29;
	v23 =	vadd.f32 $1.000000000e+00, v28  }
0x89: {  	v24 =	vmul.f32 $1.000001020e-06, v28;
	v28 =	vadd.f32 $1.600000000e+01, v28;
	v29 =	vld [tilespmem:s17+$0xFFFFFFB0];
	v26 =	vsub.f32 v27, v26  }
0x8a: {  	v21 =	vmul.f32 $8.999999760e-01, v21;
	v19 =	vsub.f32 v22, v19;
	v22 =	vmul.f32 $1.000001020e-06, v23  }
0x8b: {  	v23 =	vmul.f32 $1.000001020e-06, v28;
	v27 =	vadd.f32 $1.000000000e+00, v28;
	v28 =	vadd.f32 $1.600000000e+01, v28  }
0x8c: {  	v30 =	vadd.f32 $9.999999970e-07, v21;
	v19 =	vmul.f32 $8.999999760e-01, v19;
	v22 =	vsub.f32 v22, v24;
	v31 =	vld [tilespmem:s17+$0xFFFFFF91]  }
0x8d: {  	v27 =	vmul.f32 $1.000001020e-06, v27;
	v32 =	vadd.f32 $1.000000000e+00, v28;
	v33 =	vadd.f32 $1.600000000e+01, v28;
	v24 =	vld [tilespmem:s17+$0xFFFFFF90]  }
0x8e: {  	v34 =	vadd.f32 $9.999999970e-07, v19;
	v29 =	vsub.f32 v29, v14;
	(erf) = vrcp.f32 v30  }
0x8f: {  	v22 =	vmul.f32 $8.999999760e-01, v22;
	v14 =	vsub.f32 v27, v23;
	v23 =	vmul.f32 $1.000001020e-06, v32  }
0x90: {  	v27 =	vmul.f32 $1.000001020e-06, v28;
	v28 =	vadd.f32 $1.600000000e+01, v33;
	(erf) = vrcp.f32 v34  }
0x91: {  	v30 =	vadd.f32 $9.999999970e-07, v22;
	v32 =	vmul.f32 $8.999999760e-01, v14;
	v14 =	vmax.f32 v20, $0.0e+00  }
0x92: {  	v20 =	vsub.f32 v24, v31;
	v24 =	vmul.f32 $1.000001020e-06, v28;
	v31 =	vadd.f32 $1.000000000e+00, v28  }
0x93: {  	v35 =	vmul.f32 $1.000001020e-06, v33;
	v33 =	vadd.f32 $1.000000000e+00, v33;
	v34 =	vadd.f32 $9.999999970e-07, v32  }
0x94: {  	v28 =	vadd.f32 $1.600000000e+01, v28;
	v31 =	vmul.f32 $1.000001020e-06, v31;
	(erf) = vrcp.f32 v30  }
0x95: {  	v29 =	vmax.f32 v29, $0.0e+00;
	v23 =	vsub.f32 v23, v27;
	(erf) = vrcp.f32 v34  }
0x96: {  	v20 =	vmax.f32 v20, $0.0e+00;
	v30 =	vmul.f32 $1.000001020e-06, v28;
	v27 =	vld [tilespmem:s17+$0xFFFFFFA1];
	v24 =	vsub.f32 v31, v24  }
0x97: {  	v29 =	vmul.f32 v29, v32;
	v23 =	vmul.f32 $8.999999760e-01, v23;
	v32 =	vadd.f32 $1.600000000e+01, v28;
	v31 =	vld [tilespmem:s17+$0xFFFFFFA0];
	v34 =	vpop (erf)  }
0x98: {  	v36 =	vmax.f32 v17, $0.0e+00;
	v28 =	vadd.f32 $1.000000000e+00, v28;
	v24 =	vmul.f32 $8.999999760e-01, v24  }
0x99: {  	v17 =	vmax.f32 v18, $0.0e+00;
	v18 =	vadd.f32 $9.999999970e-07, v23;
	v37 =	vmul.f32 $1.000001020e-06, v32;
	v38 =	vpop (erf)  }
0x9a: {  	v33 =	vmul.f32 $1.000001020e-06, v33;
	v28 =	vmul.f32 $1.000001020e-06, v28;
	v39 =	vadd.f32 $1.600000000e+01, v32  }
0x9b: {  	v17 =	vmul.f32 v17, v21;
	v19 =	vmul.f32 v20, v19;
	v20 =	vadd.f32 $9.999999970e-07, v24  }
0x9c: {  	v21 =	vsub.f32 v31, v27;
	v27 =	vsub.f32 v28, v30;
	v28 =	vmul.f32 $1.000001020e-06, v39  }
0x9d: {  	v25 =	vadd.f32 v17, v25;
	v30 =	vadd.f32 $1.000000000e+00, v39;
	v31 =	vpop (erf);
	(erf) = vrcp.f32 v18  }
0x9e: {  	v18 =	vmax.f32 v21, $0.0e+00;
	v27 =	vmul.f32 $8.999999760e-01, v27;
	v21 =	vadd.f32 $1.600000000e+01, v39;
	v39 =	vpop (erf)  }
0x9f: {  	v17 =	vmul.f32 v17, v34;
	v18 =	vmul.f32 v18, v22;
	v22 =	vadd.f32 $1.000000000e+00, v32  }
0xa0: {  	v30 =	vmul.f32 $1.000001020e-06, v30;
	v32 =	vmul.f32 v19, v38;
	v34 =	vadd.f32 $9.999999970e-07, v27  }
0xa1: {  	v13 =	vadd.f32 v17, v13;
	v38 =	vmul.f32 v29, v39;
	v39 =	vmul.f32 $1.000001020e-06, v21  }
0xa2: {  	v17 =	vadd.f32 v19, v25;
	v19 =	vsub.f32 v30, v28;
	(erf) = vrcp.f32 v34  }
0xa3: {  	v26 =	vmax.f32 v26, $0.0e+00;
	v25 =	vadd.f32 v32, v13;
	v22 =	vmul.f32 $1.000001020e-06, v22  }
0xa4: {  	v30 =	vadd.f32 $1.600000000e+01, v21;
	v28 =	vmul.f32 v18, v31;
	v31 =	vmul.f32 $8.999999760e-01, v19  }
0xa5: {  	v17 =	vadd.f32 v18, v17;
	v18 =	vadd.f32 $1.000000000e+00, v21;
	(erf) = vrcp.f32 v20  }
0xa6: {  	v13 =	vmul.f32 v16, v31;
	v16 =	vadd.f32 $9.999999970e-07, v31;
	v20 =	vsub.f32 v33, v35;
	v19 =	vpop (erf)  }
0xa7: {  	v21 =	vsub.f32 v22, v37;
	v22 =	vmul.f32 $1.000001020e-06, v30;
	v31 =	vadd.f32 $1.000000000e+00, v30  }
0xa8: {  	v25 =	vadd.f32 v28, v25;
	v18 =	vmul.f32 $1.000001020e-06, v18;
	v28 =	vadd.f32 $1.600000000e+01, v30  }
0xa9: {  	v29 =	vadd.f32 v29, v17;
	v30 =	vmul.f32 $1.000001020e-06, v31;
	(erf) = vrcp.f32 v16  }
0xaa: {  	v17 =	vmul.f32 $8.999999760e-01, v21;
	v16 =	vsub.f32 v18, v39;
	v18 =	vadd.f32 $1.000000000e+00, v28  }
0xab: {  	v31 =	vadd.f32 $1.600000000e+01, v28;
	v20 =	vmul.f32 $8.999999760e-01, v20;
	v30 =	vsub.f32 v30, v22;
	v22 =	vpop (erf)  }
0xac: {  	v32 =	vadd.f32 v38, v25;
	v25 =	vmul.f32 v26, v23;
	v18 =	vmul.f32 $1.000001020e-06, v18  }
0xad: {  	v21 =	vmul.f32 v15, v20;
	v15 =	vmul.f32 $8.999999760e-01, v16;
	v16 =	vadd.f32 $1.000000000e+00, v31  }
0xae: {  	v33 =	vadd.f32 $9.999999970e-07, v17;
	v26 =	vmul.f32 $1.000001020e-06, v31;
	v20 =	vadd.f32 $9.999999970e-07, v20;
	v34 =	vpop (erf)  }
0xaf: {  	v28 =	vmul.f32 $1.000001020e-06, v28;
	v31 =	vadd.f32 $1.600000000e+01, v31;
	v16 =	vmul.f32 $1.000001020e-06, v16  }
0xb0: {  	v23 =	vmul.f32 v36, v27;
	v35 =	vadd.f32 v25, v29;
	(erf) = vrcp.f32 v20  }
0xb1: {  	v24 =	vmul.f32 v14, v24;
	v14 =	vsub.f32 v18, v28;
	v20 =	vsub.f32 v16, v26  }
0xb2: {  	v36 =	vadd.f32 $9.999999970e-07, v15;
	v26 =	vmul.f32 $1.000001020e-06, v31;
	(erf) = vrcp.f32 v33;
	v18 =	vpop (erf)  }
.Ltmp0:
0xb3: {  	v27 =	vmul.f32 v25, v19;
	v29 =	vadd.f32 $1.600000000e+01, v31;
	v16 =	vmul.f32 $8.999999760e-01, v30;
	(pc) =	sbr.rel @p0 .LBB2_2-.Ltmp0, $4  }
0xb4: {  	v25 =	vmul.f32 v24, v34;
	v19 =	vmul.f32 $8.999999760e-01, v14;
	v14 =	vadd.f32 $1.000000000e+00, v31  }
0xb5: {  	v27 =	vadd.f32 v27, v32;
	v28 =	vadd.f32 $9.999999970e-07, v16;
	v18 =	vmul.f32 v13, v18  }
0xb6: {  	v32 =	vadd.f32 $1.000000000e+00, v29;
	v31 =	vmul.f32 $1.000001020e-06, v14;
	v20 =	vmul.f32 $8.999999760e-01, v20  }
0xb7: {  	s17 =	sadd.s32 $0x100, s17;
	v30 =	vadd.f32 v21, v35;
	v33 =	vadd.f32 $9.999999970e-07, v19;
	(erf) = vrcp.f32 v36  }
0xb8: {  	v14 =	vmul.f32 $1.000001020e-06, v29;
	v29 =	vmul.f32 $1.000001020e-06, v32  }
0xb9: {  	v26 =	vsub.f32 v31, v26  }
0xba: {  	v14 =	vsub.f32 v29, v14  }
0xbb: {  	v26 =	vmul.f32 $8.999999760e-01, v26  }
0xbc: {  	(erf) = vrcp.f32 v33;
	v29 =	vadd.f32 $9.999999970e-07, v20;
	v14 =	vmul.f32 $8.999999760e-01, v14  }
0xbd: {  	(erf) = vrcp.f32 v28;
	v28 =	vadd.f32 $9.999999970e-07, v26  }
0xbe: {  	(erf) = vrcp.f32 v29;
	v29 =	vadd.f32 $9.999999970e-07, v14  }
0xbf: {  	(erf) = vrcp.f32 v28  }
0xc0: {  	(erf) = vrcp.f32 v29;
	_ =	sdelay $0x1  }
0xc1: {  	v28 =	vpop (erf)  }
0xc2: {  	v29 =	vpop (erf)  }
0xc3: {  	v31 =	vpop (erf)  }
0xc4: {  	v49 =	vpop (erf)  }
0xc5: {  	v50 =	vpop (erf)  }
0xc6: {  	v34 =	vpop (erf)  }
0xc7: {  	v35 =	vpop (erf)  }
0xc8: {  	v21 =	vmul.f32 v21, v28;
	v28 =	vpop (erf)  }
0xc9: {  	_ =	swait.ge [sflag:s11], $0x3D10  }
0xca: {  	v21 =	vadd.f32 v21, v27;
	[sflag:s11] =	ssyncset.done $0x0  }
0xcb: {  	s16 =	simm.s32 $0x3E00;
	v12 =	vmul.f32 v12, v17;
	[sflag:s11] =	ssyncadd.s32 $0xFFFFC2F0  }
0xcc: {  	v17 =	vmul.f32 v23, v22;
	v24 =	vadd.f32 v24, v30;
	v21 =	vadd.f32 v25, v21;
	v22 =	vld [tilespmem:s16+$0x61]  }
0xcd: {  	v25 =	vld [tilespmem:s16+$0x11]  }
0xce: {  	v23 =	vadd.f32 v23, v24;
	v27 =	vmul.f32 v12, v29;
	v17 =	vadd.f32 v17, v21;
	v21 =	vld [tilespmem:s16+$0x10]  }
0xcf: {  	v11 =	vmax.f32 v11, $0.0e+00;
	v24 =	vld [tilespmem:s16+$0x71]  }
0xd0: {  	v11 =	vmul.f32 v11, v15;
	v12 =	vadd.f32 v12, v23;
	v15 =	vadd.f32 v27, v17;
	v17 =	vld [tilespmem:s16+$0x51]  }
0xd1: {  	v8 =	vmax.f32 v8, $0.0e+00;
	v23 =	vld [tilespmem:s16+$0x41]  }
0xd2: {  	v8 =	vmul.f32 v8, v16;
	v12 =	vadd.f32 v13, v12;
	v16 =	vld [tilespmem:s16+$0xFFFFFFF1]  }
0xd3: {  	v9 =	vmax.f32 v9, $0.0e+00;
	v13 =	vld [tilespmem:s16+$0x70]  }
0xd4: {  	v9 =	vmul.f32 v9, v19;
	v27 =	vmul.f32 v11, v31;
	v11 =	vadd.f32 v11, v12;
	v19 =	vld [tilespmem:s16+$0x60]  }
0xd5: {  	v7 =	vmax.f32 v7, $0.0e+00;
	v12 =	vld [tilespmem:s16+$0x50]  }
0xd6: {  	v15 =	vadd.f32 v18, v15;
	v18 =	vmul.f32 v8, v50;
	v8 =	vadd.f32 v8, v11;
	v11 =	vld [tilespmem:s16+$0x31]  }
0xd7: {  	v6 =	vmax.f32 v6, $0.0e+00;
	v7 =	vmul.f32 v7, v26;
	v26 =	vld [tilespmem:s16+$0x1]  }
0xd8: {  	v10 =	vmax.f32 v10, $0.0e+00;
	v6 =	vmul.f32 v6, v14;
	v15 =	vadd.f32 v27, v15;
	v14 =	vld [tilespmem:s16+$0x21]  }
0xd9: {  	v10 =	vmul.f32 v10, v20;
	v8 =	vadd.f32 v9, v8;
	v29 =	vld [tilespmem:s16+$0xFFFFFFD1]  }
0xda: {  	v20 =	vmul.f32 v9, v49;
	v51 =	vld [tilespmem:s16+$0xFFFFFFF0];
	v15 =	vadd.f32 v18, v15  }
0xdb: {  	v18 =	vld [tilespmem:s16+$0x40];
	v8 =	vadd.f32 v10, v8  }
0xdc: {  	v27 =	vmul.f32 v10, v34;
	v15 =	vadd.f32 v20, v15;
	v20 =	vld [tilespmem:s16+$0x30]  }
0xdd: {  	v10 =	vmul.f32 v7, v35;
	v7 =	vadd.f32 v7, v8;
	v8 =	vmul.f32 v6, v28;
	v28 =	vld [tilespmem:s16+$0x20]  }
0xde: {  	v9 =	vadd.f32 v27, v15;
	v15 =	vld [tilespmem:s16+$0xFFFFFFD0]  }
0xdf: {  	v16 =	vsub.f32 v51, v16;
	v27 =	vld [tilespmem:s16+$0x0]  }
0xe0: {  	v31 =	vadd.f32 v6, v7;
	v6 =	vsub.f32 v13, v24;
	v13 =	vld [tilespmem:s16+$0xFFFFFFE1]  }
0xe1: {  	v7 =	vsub.f32 v19, v22;
	v22 =	vld [tilespmem:s16+$0xFFFFFFC0];
	v9 =	vadd.f32 v10, v9  }
0xe2: {  	v21 =	vsub.f32 v21, v25;
	v24 =	vld [tilespmem:s16+$0xFFFFFFC1];
	v10 =	vsub.f32 v12, v17  }
0xe3: {  	v19 =	vld [tilespmem:s16+$0xFFFFFF80];
	v30 =	vadd.f32 v8, v9;
	v9 =	vsub.f32 v18, v23  }
0xe4: {  	v17 =	vld [tilespmem:s16+$0xFFFFFF81];
	v8 =	vsub.f32 v20, v11;
	v20 =	vadd.f32 $1.600000000e+01, v1  }
0xe5: {  	v18 =	vld [tilespmem:s16+$0xFFFFFFE0];
	v11 =	vsub.f32 v28, v14;
	v23 =	vadd.f32 $1.000000000e+00, v1  }
0xe6: {  	v16 =	vmax.f32 v16, $0.0e+00;
	v12 =	vsub.f32 v27, v26;
	v15 =	vsub.f32 v15, v29  }
0xe7: {  	v22 =	vsub.f32 v22, v24;
	v26 =	vadd.f32 $1.600000000e+01, v20;
	v23 =	vmul.f32 $1.000001020e-06, v23  }
0xe8: {  	v25 =	vadd.f32 $1.000000000e+00, v20;
	v14 =	vmax.f32 v15, $0.0e+00;
	v12 =	vmax.f32 v12, $0.0e+00  }
0xe9: {  	v15 =	vmul.f32 $1.000001020e-06, v1;
	v17 =	vsub.f32 v19, v17;
	v19 =	vmax.f32 v21, $0.0e+00  }
0xea: {  	v22 =	vmax.f32 v22, $0.0e+00;
	v21 =	vmul.f32 $1.000001020e-06, v25;
	v13 =	vsub.f32 v18, v13  }
0xeb: {  	v18 =	vmul.f32 $1.000001020e-06, v20;
	v15 =	vsub.f32 v23, v15;
	v23 =	vadd.f32 $1.000000000e+00, v26  }
0xec: {  	v27 =	vld [tilespmem:s16+$0xFFFFFFB0];
	v25 =	vmul.f32 $1.000001020e-06, v26;
	v26 =	vadd.f32 $1.600000000e+01, v26;
	v17 =	vmax.f32 v17, $0.0e+00  }
0xed: {  	v20 =	vld [tilespmem:s16+$0xFFFFFFB1];
	v15 =	vmul.f32 $8.999999760e-01, v15;
	v18 =	vsub.f32 v21, v18;
	v21 =	vmul.f32 $1.000001020e-06, v23  }
0xee: {  	v23 =	vmul.f32 $1.000001020e-06, v26;
	v24 =	vadd.f32 $1.000000000e+00, v26;
	v26 =	vadd.f32 $1.600000000e+01, v26  }
0xef: {  	v55 =	vmax.f32 v13, $0.0e+00;
	v28 =	vadd.f32 $9.999999970e-07, v15;
	v18 =	vmul.f32 $8.999999760e-01, v18  }
0xf0: {  	v29 =	vld [tilespmem:s16+$0xFFFFFF91];
	v21 =	vsub.f32 v21, v25;
	v24 =	vmul.f32 $1.000001020e-06, v24;
	v52 =	vadd.f32 $1.000000000e+00, v26  }
0xf1: {  	v25 =	vld [tilespmem:s16+$0xFFFFFF90];
	v53 =	vadd.f32 $1.600000000e+01, v26;
	v26 =	vmul.f32 $1.000001020e-06, v26;
	v15 =	vmul.f32 v17, v15  }
0xf2: {  	v20 =	vsub.f32 v27, v20;
	v54 =	vadd.f32 $9.999999970e-07, v18;
	(erf) = vrcp.f32 v28  }
0xf3: {  	v21 =	vmul.f32 $8.999999760e-01, v21;
	v23 =	vsub.f32 v24, v23;
	v24 =	vmul.f32 $1.000001020e-06, v52  }
0xf4: {  	v27 =	vadd.f32 $1.600000000e+01, v53;
	v57 =	vmul.f32 $1.000001020e-06, v53;
	v33 =	vadd.f32 $1.000000000e+00, v53  }
0xf5: {  	v20 =	vmax.f32 v20, $0.0e+00;
	(erf) = vrcp.f32 v54;
	v28 =	vadd.f32 $9.999999970e-07, v21  }
0xf6: {  	v23 =	vmul.f32 $8.999999760e-01, v23;
	v13 =	vsub.f32 v25, v29;
	v29 =	vadd.f32 $1.000000000e+00, v27  }
0xf7: {  	v24 =	vsub.f32 v24, v26;
	v33 =	vmul.f32 $1.000001020e-06, v33;
	v25 =	vmul.f32 $1.000001020e-06, v27  }
0xf8: {  	v27 =	vadd.f32 $1.600000000e+01, v27;
	(erf) = vrcp.f32 v28;
	v29 =	vmul.f32 $1.000001020e-06, v29  }
0xf9: {  	v26 =	vld [tilespmem:s16+$0xFFFFFFA1];
	v56 =	vadd.f32 $9.999999970e-07, v23;
	v20 =	vmul.f32 v20, v23;
	v23 =	vmul.f32 $8.999999760e-01, v24  }
0xfa: {  	v13 =	vmax.f32 v13, $0.0e+00;
	v28 =	vmul.f32 $1.000001020e-06, v27;
	v25 =	vsub.f32 v29, v25;
	v29 =	vld [tilespmem:s16+$0xFFFFFFA0]  }
0xfb: {  	v24 =	vadd.f32 $1.600000000e+01, v27;
	v27 =	vadd.f32 $1.000000000e+00, v27;
	(erf) = vrcp.f32 v56  }
0xfc: {  	v33 =	vsub.f32 v33, v57;
	v13 =	vmul.f32 v13, v18;
	v25 =	vmul.f32 $8.999999760e-01, v25  }
0xfd: {  	v58 =	vadd.f32 $9.999999970e-07, v23;
	v61 =	vmul.f32 v22, v23;
	v27 =	vmul.f32 $1.000001020e-06, v27  }
0xfe: {  	v36 =	vmul.f32 $1.000001020e-06, v24;
	v37 =	vadd.f32 $1.600000000e+01, v24;
	v17 =	vadd.f32 $9.999999970e-07, v25  }
0xff: {  	(erf) = vrcp.f32 v58;
	v18 =	vsub.f32 v29, v26;
	v26 =	vsub.f32 v27, v28  }
0x100: {  	v27 =	vmul.f32 $1.000001020e-06, v37;
	v28 =	vpop (erf);
	v29 =	vadd.f32 v15, v31;
	v31 =	vadd.f32 $1.000000000e+00, v37  }
0x101: {  	v37 =	vadd.f32 $1.600000000e+01, v37;
	v59 =	vpop (erf);
	v15 =	vmul.f32 v15, v28;
	v26 =	vmul.f32 $8.999999760e-01, v26  }
0x102: {  	v18 =	vmax.f32 v18, $0.0e+00;
	v28 =	vmul.f32 v13, v59;
	v31 =	vmul.f32 $1.000001020e-06, v31  }
0x103: {  	v38 =	vpop (erf);
	v13 =	vadd.f32 v13, v29;
	v18 =	vmul.f32 v18, v21;
	v21 =	vadd.f32 $1.000000000e+00, v24  }
0x104: {  	v24 =	vpop (erf);
	v15 =	vadd.f32 v15, v30;
	v30 =	vmul.f32 $1.000001020e-06, v37;
	v60 =	vadd.f32 $9.999999970e-07, v26  }
0x105: {  	v24 =	vmul.f32 v20, v24;
	v27 =	vsub.f32 v31, v27;
	v31 =	vadd.f32 $1.000000000e+00, v37  }
0x106: {  	v23 =	vmul.f32 v16, v26;
	v15 =	vadd.f32 v28, v15;
	v21 =	vmul.f32 $1.000001020e-06, v21  }
0x107: {  	v28 =	vmul.f32 v18, v38;
	v18 =	vadd.f32 v18, v13;
	(erf) = vrcp.f32 v60  }
0x108: {  	v29 =	vadd.f32 $1.600000000e+01, v37;
	v27 =	vmul.f32 $8.999999760e-01, v27;
	(erf) = vrcp.f32 v17  }
0x109: {  	v15 =	vadd.f32 v28, v15;
	v28 =	vmul.f32 $1.000001020e-06, v31;
	v18 =	vadd.f32 v20, v18  }
0x10a: {  	v13 =	vmul.f32 v19, v27;
	v17 =	vadd.f32 $9.999999970e-07, v27;
	v27 =	vadd.f32 $1.000000000e+00, v29  }
0x10b: {  	v19 =	vsub.f32 v21, v36;
	v21 =	vmul.f32 $1.000001020e-06, v29;
	v29 =	vadd.f32 $1.600000000e+01, v29  }
0x10c: {  	v31 =	vadd.f32 v24, v15;
	v62 =	vadd.f32 v61, v18;
	v20 =	vmul.f32 $1.000001020e-06, v27  }
0x10d: {  	(erf) = vrcp.f32 v17;
	v17 =	vmul.f32 $8.999999760e-01, v19;
	v27 =	vadd.f32 $1.000000000e+00, v29  }
0x10e: {  	v19 =	vsub.f32 v28, v30;
	v28 =	vmul.f32 $8.999999760e-01, v33;
	v30 =	vadd.f32 $1.600000000e+01, v29  }
0x10f: {  	v29 =	vmul.f32 $1.000001020e-06, v29;
	v20 =	vsub.f32 v20, v21;
	v22 =	vmul.f32 $1.000001020e-06, v27  }
0x110: {  	v21 =	vmul.f32 v14, v28;
	v15 =	vmul.f32 $8.999999760e-01, v19;
	v19 =	vadd.f32 $9.999999970e-07, v28  }
0x111: {  	v14 =	vadd.f32 $1.000000000e+00, v30;
	v28 =	vmul.f32 $1.000001020e-06, v30;
	v30 =	vadd.f32 $1.600000000e+01, v30  }
0x112: {  	v24 =	vmul.f32 v55, v25;
	v27 =	vadd.f32 $9.999999970e-07, v17;
	(erf) = vrcp.f32 v19  }
0x113: {  	v14 =	vmul.f32 $1.000001020e-06, v14;
	v18 =	vsub.f32 v22, v29;
	v26 =	vmul.f32 $1.000001020e-06, v30  }
0x114: {  	v16 =	vpop (erf);
	v29 =	vadd.f32 $1.600000000e+01, v30;
	v30 =	vadd.f32 $1.000000000e+00, v30;
	(erf) = vrcp.f32 v27  }
0x115: {  	v63 =	vadd.f32 $9.999999970e-07, v15;
	v27 =	vmul.f32 v61, v16;
	v16 =	vmul.f32 $8.999999760e-01, v20;
	v22 =	vpop (erf)  }
0x116: {  	v14 =	vsub.f32 v14, v28;
	v30 =	vmul.f32 $1.000001020e-06, v30;
	v33 =	vadd.f32 $1.000000000e+00, v29;
	v19 =	vpop (erf)  }
0x117: {  	v27 =	vadd.f32 v27, v31;
	v25 =	vmul.f32 v24, v19;
	v19 =	vmul.f32 $8.999999760e-01, v18  }
0x118: {  	(erf) = vrcp.f32 v63;
	v28 =	vadd.f32 $9.999999970e-07, v16;
	v31 =	vadd.f32 v21, v62;
	v20 =	vpop (erf)  }
0x119: {  	s17 =	simm.s32 $0x3F00;
	s16 =	simm.s32 $0x0;
	v18 =	vmul.f32 v13, v20;
	v20 =	vmul.f32 $8.999999760e-01, v14;
	v32 =	vadd.f32 $9.999999970e-07, v19  }
.LBB2_4:
0x11a: {  	v14 =	vld [tilespmem:s17+$0xFFFFFFB1];
	s16 =	sadd.s32 $0x10, s16;
	v12 =	vmul.f32 v12, v17;
	v10 =	vmax.f32 v10, $0.0e+00;
	v17 =	vmul.f32 $1.000001020e-06, v29  }
0x11b: {  	v34 =	vld [tilespmem:s17+$0x61];
	p0 =	slt.u32 s16, $0x3C0;
	v24 =	vadd.f32 v24, v31;
	v31 =	vmul.f32 $1.000001020e-06, v33;
	v33 =	vpop (erf);
	(erf) = vrcp.f32 v32  }
0x11c: {  	v22 =	vmul.f32 v23, v22;
	v29 =	vadd.f32 $1.600000000e+01, v29;
	v32 =	vld [tilespmem:s17+$0x11];
	v21 =	vmul.f32 v21, v33  }
0x11d: {  	v9 =	vmax.f32 v9, $0.0e+00;
	v33 =	vld [tilespmem:s17+$0x10];
	v23 =	vadd.f32 v23, v24;
	v24 =	vadd.f32 $9.999999970e-07, v20;
	v35 =	vpop (erf)  }
0x11e: {  	v26 =	vsub.f32 v30, v26;
	v36 =	vld [tilespmem:s17+$0x71];
	v21 =	vadd.f32 v21, v27;
	(erf) = vrcp.f32 v28  }
0x11f: {  	v11 =	vmax.f32 v11, $0.0e+00;
	v27 =	vld [tilespmem:s17+$0x51];
	v28 =	vadd.f32 v12, v23;
	(erf) = vrcp.f32 v24  }
0x120: {  	v17 =	vsub.f32 v31, v17;
	v24 =	vld [tilespmem:s17+$0x41];
	v21 =	vadd.f32 v25, v21;
	v25 =	vmul.f32 $8.999999760e-01, v26  }
0x121: {  	v11 =	vmul.f32 v11, v15;
	v12 =	vmul.f32 v12, v35;
	v26 =	vld [tilespmem:s17+$0xFFFFFFF1];
	v13 =	vadd.f32 v13, v28  }
0x122: {  	v17 =	vmul.f32 $8.999999760e-01, v17;
	v15 =	vld [tilespmem:s17+$0x70];
	v21 =	vadd.f32 v22, v21;
	v22 =	vadd.f32 $9.999999970e-07, v25;
	v23 =	vpop (erf)  }
0x123: {  	v28 =	vld [tilespmem:s17+$0x60];
	v23 =	vmul.f32 v11, v23;
	v11 =	vadd.f32 v11, v13;
	v13 =	vmul.f32 v9, v19  }
0x124: {  	v30 =	vadd.f32 $9.999999970e-07, v17;
	v19 =	vmul.f32 v10, v20;
	v9 =	vld [tilespmem:s17+$0x50];
	v12 =	vadd.f32 v12, v21;
	v20 =	vpop (erf)  }
0x125: {  	v8 =	vmax.f32 v8, $0.0e+00;
	v7 =	vmax.f32 v7, $0.0e+00;
	v21 =	vld [tilespmem:s17+$0x40];
	(erf) = vrcp.f32 v22  }
0x126: {  	v8 =	vmul.f32 v8, v16;
	v22 =	vld [tilespmem:s17+$0x31];
	v12 =	vadd.f32 v18, v12;
	(erf) = vrcp.f32 v30  }
0x127: {  	v18 =	vmul.f32 v13, v20;
	v20 =	vmul.f32 v7, v25;
	v16 =	vld [tilespmem:s17+$0x30];
	v10 =	vpop (erf)  }
0x128: {  	v25 =	vld [tilespmem:s17+$0x1];
	v7 =	vsub.f32 v28, v34;
	v12 =	vadd.f32 v23, v12;
	v23 =	vmul.f32 v8, v10;
	v28 =	vpop (erf)  }
0x129: {  	v15 =	vsub.f32 v15, v36;
	v30 =	vld [tilespmem:s17+$0xFFFFFFD0];
	v10 =	vsub.f32 v9, v27;
	v27 =	vmul.f32 v19, v28  }
0x12a: {  	v28 =	vld [tilespmem:s17+$0x21];
	v9 =	vsub.f32 v21, v24;
	v12 =	vadd.f32 v23, v12  }
0x12b: {  	v11 =	vadd.f32 v8, v11;
	v21 =	vld [tilespmem:s17+$0x0]  }
0x12c: {  	v23 =	vld [tilespmem:s17+$0x20];
	v8 =	vsub.f32 v16, v22;
	v12 =	vadd.f32 v18, v12  }
0x12d: {  	v11 =	vadd.f32 v13, v11;
	v22 =	vmax.f32 v6, $0.0e+00;
	v6 =	vmov v15;
	v16 =	vld [tilespmem:s17+$0xFFFFFFD1]  }
0x12e: {  	v15 =	vmul.f32 v22, v17;
	v18 =	vld [tilespmem:s17+$0xFFFFFF81];
	v12 =	vadd.f32 v27, v12;
	v13 =	vpop (erf)  }
0x12f: {  	v11 =	vadd.f32 v19, v11;
	v17 =	vld [tilespmem:s17+$0xFFFFFFF0];
	v13 =	vmul.f32 v20, v13;
	v19 =	vpop (erf)  }
0x130: {  	v22 =	vld [tilespmem:s17+$0xFFFFFF80];
	v21 =	vsub.f32 v21, v25  }
0x131: {  	v11 =	vadd.f32 v20, v11;
	v24 =	vld [tilespmem:s17+$0xFFFFFFE1];
	v12 =	vadd.f32 v13, v12;
	v13 =	vmul.f32 v15, v19  }
0x132: {  	v19 =	vadd.f32 $1.600000000e+01, v29;
	v16 =	vsub.f32 v30, v16;
	v20 =	vld [tilespmem:s17+$0xFFFFFFE0]  }
0x133: {  	v25 =	vadd.f32 v15, v11;
	v13 =	vadd.f32 v13, v12  }
0x134: {  	v11 =	vsub.f32 v23, v28;
	v27 =	vld [tilespmem:s17+$0xFFFFFFC0];
	v17 =	vsub.f32 v17, v26  }
0x135: {  	v23 =	vadd.f32 $1.000000000e+00, v29;
	v12 =	vmax.f32 v21, $0.0e+00;
	v15 =	vmax.f32 v16, $0.0e+00;
	v26 =	vld [tilespmem:s17+$0xFFFFFFC1]  }
0x136: {  	v21 =	vmul.f32 $1.000001020e-06, v29;
	v28 =	vadd.f32 $1.600000000e+01, v19;
	v16 =	vsub.f32 v33, v32  }
0x137: {  	v23 =	vmul.f32 $1.000001020e-06, v23;
	v29 =	vadd.f32 $1.000000000e+00, v19;
	v20 =	vsub.f32 v20, v24  }
0x138: {  	v19 =	vmul.f32 $1.000001020e-06, v19;
	v18 =	vsub.f32 v22, v18;
	v16 =	vmax.f32 v16, $0.0e+00  }
0x139: {  	v21 =	vsub.f32 v23, v21;
	v22 =	vmul.f32 $1.000001020e-06, v29;
	v23 =	vadd.f32 $1.000000000e+00, v28  }
0x13a: {  	v24 =	vmul.f32 $1.000001020e-06, v28;
	v28 =	vadd.f32 $1.600000000e+01, v28;
	v29 =	vld [tilespmem:s17+$0xFFFFFFB0];
	v26 =	vsub.f32 v27, v26  }
0x13b: {  	v21 =	vmul.f32 $8.999999760e-01, v21;
	v19 =	vsub.f32 v22, v19;
	v22 =	vmul.f32 $1.000001020e-06, v23  }
0x13c: {  	v23 =	vmul.f32 $1.000001020e-06, v28;
	v27 =	vadd.f32 $1.000000000e+00, v28;
	v28 =	vadd.f32 $1.600000000e+01, v28  }
0x13d: {  	v30 =	vadd.f32 $9.999999970e-07, v21;
	v19 =	vmul.f32 $8.999999760e-01, v19;
	v22 =	vsub.f32 v22, v24;
	v31 =	vld [tilespmem:s17+$0xFFFFFF91]  }
0x13e: {  	v27 =	vmul.f32 $1.000001020e-06, v27;
	v32 =	vadd.f32 $1.000000000e+00, v28;
	v33 =	vadd.f32 $1.600000000e+01, v28;
	v24 =	vld [tilespmem:s17+$0xFFFFFF90]  }
0x13f: {  	v34 =	vadd.f32 $9.999999970e-07, v19;
	v29 =	vsub.f32 v29, v14;
	(erf) = vrcp.f32 v30  }
0x140: {  	v22 =	vmul.f32 $8.999999760e-01, v22;
	v14 =	vsub.f32 v27, v23;
	v23 =	vmul.f32 $1.000001020e-06, v32  }
0x141: {  	v27 =	vmul.f32 $1.000001020e-06, v28;
	v28 =	vadd.f32 $1.600000000e+01, v33;
	(erf) = vrcp.f32 v34  }
0x142: {  	v30 =	vadd.f32 $9.999999970e-07, v22;
	v32 =	vmul.f32 $8.999999760e-01, v14;
	v14 =	vmax.f32 v20, $0.0e+00  }
0x143: {  	v20 =	vsub.f32 v24, v31;
	v24 =	vmul.f32 $1.000001020e-06, v28;
	v31 =	vadd.f32 $1.000000000e+00, v28  }
0x144: {  	v35 =	vmul.f32 $1.000001020e-06, v33;
	v33 =	vadd.f32 $1.000000000e+00, v33;
	v34 =	vadd.f32 $9.999999970e-07, v32  }
0x145: {  	v28 =	vadd.f32 $1.600000000e+01, v28;
	v31 =	vmul.f32 $1.000001020e-06, v31;
	(erf) = vrcp.f32 v30  }
0x146: {  	v29 =	vmax.f32 v29, $0.0e+00;
	v23 =	vsub.f32 v23, v27;
	(erf) = vrcp.f32 v34  }
0x147: {  	v20 =	vmax.f32 v20, $0.0e+00;
	v30 =	vmul.f32 $1.000001020e-06, v28;
	v27 =	vld [tilespmem:s17+$0xFFFFFFA1];
	v24 =	vsub.f32 v31, v24  }
0x148: {  	v29 =	vmul.f32 v29, v32;
	v23 =	vmul.f32 $8.999999760e-01, v23;
	v32 =	vadd.f32 $1.600000000e+01, v28;
	v31 =	vld [tilespmem:s17+$0xFFFFFFA0];
	v34 =	vpop (erf)  }
0x149: {  	v36 =	vmax.f32 v17, $0.0e+00;
	v28 =	vadd.f32 $1.000000000e+00, v28;
	v24 =	vmul.f32 $8.999999760e-01, v24  }
0x14a: {  	v17 =	vmax.f32 v18, $0.0e+00;
	v18 =	vadd.f32 $9.999999970e-07, v23;
	v37 =	vmul.f32 $1.000001020e-06, v32;
	v38 =	vpop (erf)  }
0x14b: {  	v33 =	vmul.f32 $1.000001020e-06, v33;
	v28 =	vmul.f32 $1.000001020e-06, v28;
	v39 =	vadd.f32 $1.600000000e+01, v32  }
0x14c: {  	v17 =	vmul.f32 v17, v21;
	v19 =	vmul.f32 v20, v19;
	v20 =	vadd.f32 $9.999999970e-07, v24  }
0x14d: {  	v21 =	vsub.f32 v31, v27;
	v27 =	vsub.f32 v28, v30;
	v28 =	vmul.f32 $1.000001020e-06, v39  }
0x14e: {  	v25 =	vadd.f32 v17, v25;
	v30 =	vadd.f32 $1.000000000e+00, v39;
	v31 =	vpop (erf);
	(erf) = vrcp.f32 v18  }
0x14f: {  	v18 =	vmax.f32 v21, $0.0e+00;
	v27 =	vmul.f32 $8.999999760e-01, v27;
	v21 =	vadd.f32 $1.600000000e+01, v39;
	v39 =	vpop (erf)  }
0x150: {  	v17 =	vmul.f32 v17, v34;
	v18 =	vmul.f32 v18, v22;
	v22 =	vadd.f32 $1.000000000e+00, v32  }
0x151: {  	v30 =	vmul.f32 $1.000001020e-06, v30;
	v32 =	vmul.f32 v19, v38;
	v34 =	vadd.f32 $9.999999970e-07, v27  }
0x152: {  	v13 =	vadd.f32 v17, v13;
	v38 =	vmul.f32 v29, v39;
	v39 =	vmul.f32 $1.000001020e-06, v21  }
0x153: {  	v17 =	vadd.f32 v19, v25;
	v19 =	vsub.f32 v30, v28;
	(erf) = vrcp.f32 v34  }
0x154: {  	v26 =	vmax.f32 v26, $0.0e+00;
	v25 =	vadd.f32 v32, v13;
	v22 =	vmul.f32 $1.000001020e-06, v22  }
0x155: {  	v30 =	vadd.f32 $1.600000000e+01, v21;
	v28 =	vmul.f32 v18, v31;
	v31 =	vmul.f32 $8.999999760e-01, v19  }
0x156: {  	v17 =	vadd.f32 v18, v17;
	v18 =	vadd.f32 $1.000000000e+00, v21;
	(erf) = vrcp.f32 v20  }
0x157: {  	v13 =	vmul.f32 v16, v31;
	v16 =	vadd.f32 $9.999999970e-07, v31;
	v20 =	vsub.f32 v33, v35;
	v19 =	vpop (erf)  }
0x158: {  	v21 =	vsub.f32 v22, v37;
	v22 =	vmul.f32 $1.000001020e-06, v30;
	v31 =	vadd.f32 $1.000000000e+00, v30  }
0x159: {  	v25 =	vadd.f32 v28, v25;
	v18 =	vmul.f32 $1.000001020e-06, v18;
	v28 =	vadd.f32 $1.600000000e+01, v30  }
0x15a: {  	v29 =	vadd.f32 v29, v17;
	v30 =	vmul.f32 $1.000001020e-06, v31;
	(erf) = vrcp.f32 v16  }
0x15b: {  	v17 =	vmul.f32 $8.999999760e-01, v21;
	v16 =	vsub.f32 v18, v39;
	v18 =	vadd.f32 $1.000000000e+00, v28  }
0x15c: {  	v31 =	vadd.f32 $1.600000000e+01, v28;
	v20 =	vmul.f32 $8.999999760e-01, v20;
	v30 =	vsub.f32 v30, v22;
	v22 =	vpop (erf)  }
0x15d: {  	v32 =	vadd.f32 v38, v25;
	v25 =	vmul.f32 v26, v23;
	v18 =	vmul.f32 $1.000001020e-06, v18  }
0x15e: {  	v21 =	vmul.f32 v15, v20;
	v15 =	vmul.f32 $8.999999760e-01, v16;
	v16 =	vadd.f32 $1.000000000e+00, v31  }
0x15f: {  	v33 =	vadd.f32 $9.999999970e-07, v17;
	v26 =	vmul.f32 $1.000001020e-06, v31;
	v20 =	vadd.f32 $9.999999970e-07, v20;
	v34 =	vpop (erf)  }
0x160: {  	v28 =	vmul.f32 $1.000001020e-06, v28;
	v31 =	vadd.f32 $1.600000000e+01, v31;
	v16 =	vmul.f32 $1.000001020e-06, v16  }
0x161: {  	v23 =	vmul.f32 v36, v27;
	v35 =	vadd.f32 v25, v29;
	(erf) = vrcp.f32 v20  }
0x162: {  	v24 =	vmul.f32 v14, v24;
	v14 =	vsub.f32 v18, v28;
	v20 =	vsub.f32 v16, v26  }
0x163: {  	v36 =	vadd.f32 $9.999999970e-07, v15;
	v26 =	vmul.f32 $1.000001020e-06, v31;
	(erf) = vrcp.f32 v33;
	v18 =	vpop (erf)  }
.Ltmp1:
0x164: {  	v27 =	vmul.f32 v25, v19;
	v29 =	vadd.f32 $1.600000000e+01, v31;
	v16 =	vmul.f32 $8.999999760e-01, v30;
	(pc) =	sbr.rel @p0 .LBB2_4-.Ltmp1, $4  }
0x165: {  	v25 =	vmul.f32 v24, v34;
	v19 =	vmul.f32 $8.999999760e-01, v14;
	v14 =	vadd.f32 $1.000000000e+00, v31  }
0x166: {  	v27 =	vadd.f32 v27, v32;
	v28 =	vadd.f32 $9.999999970e-07, v16;
	v18 =	vmul.f32 v13, v18  }
0x167: {  	v30 =	vmul.f32 $1.000001020e-06, v14;
	v20 =	vmul.f32 $8.999999760e-01, v20;
	v33 =	vadd.f32 $1.000000000e+00, v29  }
0x168: {  	s17 =	sadd.s32 $0x100, s17;
	v31 =	vadd.f32 v21, v35;
	v32 =	vadd.f32 $9.999999970e-07, v19;
	(erf) = vrcp.f32 v36  }
0x169: {  	v14 =	vmul.f32 $1.000001020e-06, v29;
	v47 =	vmul.f32 $1.000001020e-06, v33  }
0x16a: {  	v26 =	vsub.f32 v30, v26  }
0x16b: {  	v14 =	vsub.f32 v47, v14  }
0x16c: {  	v48 =	vpop (erf);
	(erf) = vrcp.f32 v32;
	v26 =	vmul.f32 $8.999999760e-01, v26  }
0x16d: {  	v49 =	vadd.f32 $9.999999970e-07, v20;
	v21 =	vmul.f32 v21, v48;
	v14 =	vmul.f32 $8.999999760e-01, v14  }
0x16e: {  	(erf) = vrcp.f32 v28;
	v50 =	vadd.f32 $9.999999970e-07, v26  }
0x16f: {  	(erf) = vrcp.f32 v49;
	v21 =	vadd.f32 v21, v27;
	v51 =	vadd.f32 $9.999999970e-07, v14  }
0x170: {  	v12 =	vmul.f32 v12, v17;
	(erf) = vrcp.f32 v50  }
0x171: {  	v17 =	vmul.f32 v23, v22;
	v21 =	vadd.f32 v25, v21;
	(erf) = vrcp.f32 v51  }
0x172: {  	v24 =	vadd.f32 v24, v31  }
0x173: {  	v22 =	vpop (erf);
	v17 =	vadd.f32 v17, v21  }
0x174: {  	v23 =	vadd.f32 v23, v24;
	v22 =	vmul.f32 v12, v22  }
0x175: {  	v11 =	vmax.f32 v11, $0.0e+00;
	v8 =	vmax.f32 v8, $0.0e+00;
	v21 =	vpop (erf)  }
0x176: {  	v11 =	vmul.f32 v11, v15;
	v12 =	vadd.f32 v12, v23;
	v15 =	vadd.f32 v22, v17;
	v52 =	vpop (erf)  }
0x177: {  	v9 =	vmax.f32 v9, $0.0e+00;
	v8 =	vmul.f32 v8, v16;
	v17 =	vpop (erf)  }
0x178: {  	v12 =	vadd.f32 v13, v12;
	v21 =	vmul.f32 v11, v21;
	v15 =	vadd.f32 v18, v15;
	v16 =	vpop (erf)  }
0x179: {  	v10 =	vmax.f32 v10, $0.0e+00;
	v9 =	vmul.f32 v9, v19;
	v13 =	vpop (erf)  }
0x17a: {  	v11 =	vadd.f32 v11, v12;
	v17 =	vmul.f32 v8, v17;
	v15 =	vadd.f32 v21, v15;
	v18 =	vpop (erf)  }
0x17b: {  	v7 =	vmax.f32 v7, $0.0e+00;
	v10 =	vmul.f32 v10, v20;
	_ =	swait.ge [sflag:s12], $0x240  }
0x17c: {  	v12 =	vmul.f32 v9, v52;
	v8 =	vadd.f32 v8, v11;
	v15 =	vadd.f32 v17, v15;
	[sflag:s12] =	ssyncset.done $0x0  }
0x17d: {  	s16 =	simm.s32 $0x7B20;
	v7 =	vmul.f32 v7, v26;
	[sflag:s12] =	ssyncadd.s32 $0xFFFFFDC0  }
0x17e: {  	v11 =	vmul.f32 v10, v16;
	v8 =	vadd.f32 v9, v8;
	v12 =	vadd.f32 v12, v15;
	v15 =	vld [tilespmem:s16+$0xFFFFFFE1]  }
0x17f: {  	v6 =	vmax.f32 v6, $0.0e+00;
	v9 =	vld [tilespmem:s16+$0x10]  }
0x180: {  	v8 =	vadd.f32 v10, v8;
	v11 =	vadd.f32 v11, v12;
	v12 =	vmul.f32 v7, v13;
	v13 =	vld [tilespmem:s16+$0x11]  }
0x181: {  	s28 =	simm.s32 $0x60;
	v6 =	vmul.f32 v6, v14;
	v10 =	vld [tilespmem:s16+$0x1]  }
0x182: {  	s17 =	simm.s32 $0x10;
	v57 =	vmov s28;
	v7 =	vadd.f32 v7, v8;
	v8 =	vld [tilespmem:s16+$0x0]  }
0x183: {  	v16 =	vmov s17;
	v14 =	vld [tilespmem:s16+$0xFFFFFFE0];
	v11 =	vadd.f32 v12, v11;
	v12 =	vmul.f32 v6, v18  }
0x184: {  	s25 =	simm.s32 $0x30;
	vm15 =	vlt.u32 v57, v4;
	vm0 =	vlt.u32 v16, v4;
	v17 =	vadd.f32 v6, v7;
	v6 =	vld [tilespmem:s16+$0xFFFFFFF0]  }
0x185: {  	s18 =	simm.s32 $0x20;
	v12 =	vadd.f32 v12, v11;
	v11 =	vld [tilespmem:s16+$0xFFFFFFF1];
	v16 =	vsub.f32 v9, v13;
	v9 =	vmov s25  }
0x186: {  	v7 =	vmov s18;
	vm10 =	vlt.u32 v9, v4;
	v9 =	vadd.f32 $1.000000000e+00, v3  }
0x187: {  	v18 =	vsel vm0, $0x3F800000, v5;
	v13 =	vadd.f32 $1.600000000e+01, v3;
	v19 =	vsub.f32 v8, v10  }
0x188: {  	v14 =	vsub.f32 v14, v15;
	v8 =	vmul.f32 $1.000001020e-06, v3;
	v9 =	vmul.f32 $1.000001020e-06, v9  }
0x189: {  	vm11 =	vlt.u32 v7, v4;
	v10 =	vadd.f32 $1.000000000e+00, v13;
	v15 =	vadd.f32 $1.600000000e+01, v13  }
0x18a: {  	v18 =	vmul.f32 v18, v2;
	v6 =	vsub.f32 v6, v11;
	v8 =	vsub.f32 v9, v8  }
0x18b: {  	v11 =	vmul.f32 $1.000001020e-06, v13;
	v9 =	vmul.f32 $1.000001020e-06, v10;
	v10 =	vadd.f32 $1.000000000e+00, v15  }
0x18c: {  	v7 =	vmul.f32 $1.000001020e-06, v15;
	v13 =	vadd.f32 $1.600000000e+01, v15;
	v15 =	vmul.f32 $8.999999760e-01, v8  }
0x18d: {  	s26 =	simm.s32 $0x7B60;
	v20 =	vsel vm10, $0x3F800000, v5;
	v8 =	vsub.f32 v9, v11;
	v9 =	vmul.f32 $1.000001020e-06, v10  }
0x18e: {  	v23 =	vld [tilespmem:s26+$0x11];
	v59 =	vmax.f32 v6, $0.0e+00;
	v22 =	vadd.f32 $1.000000000e+00, v13;
	v53 =	vadd.f32 $9.999999970e-07, v15  }
0x18f: {  	v21 =	vmul.f32 $1.000001020e-06, v13;
	v11 =	vld [tilespmem:s26+$0x10];
	v54 =	vmul.f32 $8.999999760e-01, v8;
	v7 =	vsub.f32 v9, v7  }
0x190: {  	v56 =	vadd.f32 $1.600000000e+01, v13;
	v8 =	vmul.f32 $1.000001020e-06, v22;
	(erf) = vrcp.f32 v53  }
0x191: {  	s29 =	simm.s32 $0x50;
	v13 =	vld [tilespmem:s26+$0x1];
	v10 =	vsel vm11, $0x3F800000, v5;
	v9 =	vadd.f32 $9.999999970e-07, v54;
	v22 =	vmul.f32 $8.999999760e-01, v7  }
0x192: {  	v58 =	vmul.f32 v10, v2;
	v10 =	vmov s29;
	v7 =	vld [tilespmem:s26+$0x0];
	v8 =	vsub.f32 v8, v21  }
0x193: {  	s30 =	simm.s32 $0x0;
	vm12 =	vlt.u32 v10, v4;
	v60 =	vadd.f32 $9.999999970e-07, v22;
	(erf) = vrcp.f32 v9  }
0x194: {  	v55 =	vld [tilespmem:s26+$0xFFFFFFE1];
	v10 =	vmov s30;
	v6 =	vsub.f32 v11, v23;
	v23 =	vmul.f32 $8.999999760e-01, v8  }
0x195: {  	s31 =	simm.s32 $0x70;
	v19 =	vmax.f32 v19, $0.0e+00;
	vm13 =	vlt.u32 v10, v4;
	v21 =	vld [tilespmem:s26+$0xFFFFFFE0];
	(erf) = vrcp.f32 v60  }
0x196: {  	v8 =	vmov s31;
	v19 =	vmul.f32 v19, v22;
	v62 =	vadd.f32 $9.999999970e-07, v23  }
0x197: {  	vm14 =	vlt.u32 v8, v4;
	v8 =	vsub.f32 v7, v13;
	v13 =	vmax.f32 v14, $0.0e+00  }
0x198: {  	v61 =	vld [tilespmem:s26+$0xFFFFFFF1];
	v63 =	vsel vm13, $0x3F800000, v5;
	(erf) = vrcp.f32 v62;
	v14 =	vmul.f32 v13, v15  }
0x199: {  	v16 =	vmax.f32 v16, $0.0e+00;
	v11 =	vld [tilespmem:s26+$0xFFFFFFF0];
	v15 =	vmul.f32 v63, v2;
	v13 =	vmul.f32 v20, v2;
	v20 =	vpop (erf)  }
0x19a: {  	v10 =	vsub.f32 v21, v55;
	v21 =	vmul.f32 v59, v54;
	v20 =	vmul.f32 v14, v20  }
0x19b: {  	v9 =	vsel vm12, $0x3F800000, v5;
	v16 =	vmul.f32 v16, v23;
	v14 =	vmul.f32 v14, v15  }
0x19c: {  	v23 =	vadd.f32 $1.000000000e+00, v56;
	v7 =	vsel vm14, $0x3F800000, v5;
	v22 =	vpop (erf);
	v15 =	vmul.f32 v20, v15  }
0x19d: {  	v20 =	vmul.f32 v21, v22;
	v14 =	vadd.f32 v14, v17;
	v17 =	vmul.f32 v21, v18  }
0x19e: {  	v11 =	vsub.f32 v11, v61;
	v22 =	vmul.f32 v19, v58;
	v21 =	vpop (erf);
	v15 =	vadd.f32 v15, v12  }
0x19f: {  	v18 =	vmul.f32 v20, v18;
	v20 =	vmul.f32 v19, v21;
	v12 =	vsel vm15, $0x3F800000, v5  }
0x1a0: {  	v21 =	vadd.f32 v17, v14;
	v14 =	vmul.f32 v16, v13;
	v19 =	vadd.f32 $1.600000000e+01, v56  }
0x1a1: {  	v15 =	vadd.f32 v18, v15;
	v20 =	vmul.f32 v20, v58;
	v17 =	vpop (erf);
	v18 =	vmul.f32 $1.000001020e-06, v56  }
0x1a2: {  	s19 =	simm.s32 $0x7BA0;
	v17 =	vmul.f32 v16, v17;
	v16 =	vadd.f32 v22, v21;
	v22 =	vadd.f32 $1.000000000e+00, v19  }
0x1a3: {  	s17 =	simm.s32 $0x4;
	s18 =	simm.s32 $0x40;
	s16 =	simm.s32 $0x40;
	v21 =	vmul.f32 $1.000001020e-06, v23;
	v15 =	vadd.f32 v20, v15;
	v20 =	vadd.f32 $1.600000000e+01, v19  }
.LBB2_6:
0x1a4: {  	v23 =	vld [tilespmem:s19+$0xFFFFFFE1];
	s17 =	sadd.s32 $0x4, s17;
	v19 =	vmul.f32 $1.000001020e-06, v19;
	v13 =	vmul.f32 v17, v13;
	v14 =	vadd.f32 v14, v16  }
0x1a5: {  	v16 =	vld [tilespmem:s19+$0x10];
	p0 =	slt.u32 s17, $0x20;
	v17 =	vsub.f32 v21, v18;
	v18 =	vmul.f32 $1.000001020e-06, v22;
	v21 =	vadd.f32 $1.000000000e+00, v20  }
0x1a6: {  	v24 =	vmul.f32 $1.000001020e-06, v20;
	v20 =	vadd.f32 $1.600000000e+01, v20;
	v22 =	vld [tilespmem:s19+$0xFFFFFFF1];
	v15 =	vadd.f32 v13, v15  }
0x1a7: {  	v13 =	vld [tilespmem:s19+$0x11];
	v17 =	vmul.f32 $8.999999760e-01, v17;
	v18 =	vsub.f32 v18, v19;
	v19 =	vmul.f32 $1.000001020e-06, v21  }
0x1a8: {  	s18 =	sadd.s32 $0x40, s18;
	v25 =	vmul.f32 $1.000001020e-06, v20;
	v26 =	vadd.f32 $1.000000000e+00, v20;
	v20 =	vadd.f32 $1.600000000e+01, v20;
	v21 =	vld [tilespmem:s19+$0x1]  }
0x1a9: {  	s20 =	sadd.s32 $0x20, s18;
	v27 =	vld [tilespmem:s19+$0xFFFFFFE0];
	v28 =	vadd.f32 $9.999999970e-07, v17;
	v18 =	vmul.f32 $8.999999760e-01, v18;
	v19 =	vsub.f32 v19, v24  }
0x1aa: {  	v30 =	vmul.f32 v12, v2;
	v29 =	vmov s20;
	v12 =	vmul.f32 $1.000001020e-06, v26;
	v24 =	vld [tilespmem:s19+$0xFFFFFFF0]  }
0x1ab: {  	s20 =	sadd.s32 $0x10, s18;
	v26 =	vld [tilespmem:s19+$0x0];
	v31 =	vadd.f32 $9.999999970e-07, v18;
	v19 =	vmul.f32 $8.999999760e-01, v19;
	(erf) = vrcp.f32 v28  }
0x1ac: {  	v32 =	vmax.f32 v11, $0.0e+00;
	v28 =	vmov s20;
	v11 =	vsub.f32 v12, v25  }
0x1ad: {  	s20 =	sadd.s32 $0x30, s18;
	v16 =	vsub.f32 v16, v13;
	v12 =	vadd.f32 $9.999999970e-07, v19;
	(erf) = vrcp.f32 v31  }
0x1ae: {  	vm0 =	vlt.u32 v28, v4;
	v13 =	vmov s20;
	v25 =	vmul.f32 $8.999999760e-01, v11  }
0x1af: {  	v28 =	vsel vm0, $0x3F800000, v5;
	vm0 =	vlt.u32 v13, v4;
	(erf) = vrcp.f32 v12  }
0x1b0: {  	v11 =	vmov s16;
	s16 =	smov.u32 s18;
	v13 =	vadd.f32 $9.999999970e-07, v25;
	v12 =	vsub.f32 v26, v21  }
0x1b1: {  	v21 =	vsub.f32 v27, v23;
	v23 =	vsel vm0, $0x3F800000, v5;
	vm0 =	vlt.u32 v11, v4  }
0x1b2: {  	v27 =	vmax.f32 v10, $0.0e+00;
	v26 =	vsel vm0, $0x3F800000, v5;
	(erf) = vrcp.f32 v13  }
0x1b3: {  	v11 =	vsub.f32 v24, v22;
	v17 =	vmul.f32 v27, v17;
	v22 =	vmul.f32 v26, v2;
	v10 =	vmovc v21  }
0x1b4: {  	v18 =	vmul.f32 v32, v18;
	vm0 =	vlt.u32 v29, v4;
	v13 =	vmul.f32 v7, v2;
	v7 =	vpop (erf)  }
0x1b5: {  	v24 =	vmax.f32 v8, $0.0e+00;
	v8 =	vmovc v12;
	v21 =	vmul.f32 v17, v7;
	v17 =	vmul.f32 v17, v22;
	v7 =	vmovc v23  }
0x1b6: {  	v19 =	vmul.f32 v24, v19;
	v24 =	vmax.f32 v6, $0.0e+00;
	v23 =	vmul.f32 v9, v2;
	v6 =	vpop (erf)  }
0x1b7: {  	v12 =	vsel vm0, $0x3F800000, v5;
	v9 =	vmovc v28;
	v21 =	vmul.f32 v21, v22;
	v22 =	vmul.f32 v18, v6;
	v6 =	vmovc v16  }
0x1b8: {  	v14 =	vadd.f32 v17, v14;
	v16 =	vmul.f32 v18, v23;
	v17 =	vmul.f32 v24, v25;
	v18 =	vpop (erf)  }
0x1b9: {  	v15 =	vadd.f32 v21, v15;
	v21 =	vmul.f32 v22, v23;
	v23 =	vmul.f32 v19, v18  }
.Ltmp2:
0x1ba: {  	v16 =	vadd.f32 v16, v14;
	v14 =	vmul.f32 v17, v13;
	(pc) =	sbr.rel @p0 .LBB2_6-.Ltmp2, $4  }
0x1bb: {  	v22 =	vmul.f32 v19, v30;
	v15 =	vadd.f32 v21, v15;
	v21 =	vmul.f32 v23, v30;
	v18 =	vpop (erf)  }
0x1bc: {  	v19 =	vadd.f32 $1.600000000e+01, v20;
	v23 =	vadd.f32 $1.000000000e+00, v20;
	v17 =	vmul.f32 v17, v18  }
0x1bd: {  	v16 =	vadd.f32 v22, v16;
	v18 =	vmul.f32 $1.000001020e-06, v20;
	v15 =	vadd.f32 v21, v15  }
0x1be: {  	s19 =	sadd.s32 $0x40, s19;
	v22 =	vadd.f32 $1.000000000e+00, v19;
	v20 =	vadd.f32 $1.600000000e+01, v19;
	v21 =	vmul.f32 $1.000001020e-06, v23  }
0x1bf: {  	_ = 	snop  }
0x1c0: {  	v19 =	vmul.f32 $1.000001020e-06, v19;
	v18 =	vsub.f32 v21, v18  }
0x1c1: {  	v46 =	vmul.f32 $1.000001020e-06, v22;
	v47 =	vadd.f32 $1.000000000e+00, v20;
	v23 =	vadd.f32 $1.600000000e+01, v20  }
0x1c2: {  	v48 =	vmul.f32 $1.000001020e-06, v20;
	v18 =	vmul.f32 $8.999999760e-01, v18  }
0x1c3: {  	v19 =	vsub.f32 v46, v19;
	v49 =	vmul.f32 $1.000001020e-06, v47;
	v50 =	vadd.f32 $1.000000000e+00, v23  }
0x1c4: {  	v23 =	vmul.f32 $1.000001020e-06, v23;
	v24 =	vadd.f32 $9.999999970e-07, v18  }
0x1c5: {  	v20 =	vsub.f32 v49, v48;
	v19 =	vmul.f32 $8.999999760e-01, v19;
	v51 =	vmul.f32 $1.000001020e-06, v50  }
0x1c6: {  	(erf) = vrcp.f32 v24  }
0x1c7: {  	v21 =	vsub.f32 v51, v23;
	v52 =	vadd.f32 $9.999999970e-07, v19;
	v20 =	vmul.f32 $8.999999760e-01, v20;
	_ =	sdelay $0x1  }
0x1c8: {  	(erf) = vrcp.f32 v52;
	v53 =	vadd.f32 $9.999999970e-07, v20;
	v21 =	vmul.f32 $8.999999760e-01, v21;
	_ =	sdelay $0x1  }
0x1c9: {  	(erf) = vrcp.f32 v53;
	v54 =	vadd.f32 $9.999999970e-07, v21;
	_ =	sdelay $0x1  }
0x1ca: {  	v55 =	vmov s16;
	(erf) = vrcp.f32 v54  }
0x1cb: {  	v10 =	vmax.f32 v10, $0.0e+00;
	vm0 =	vlt.u32 v55, v4  }
0x1cc: {  	v13 =	vmul.f32 v17, v13;
	v56 =	vsel vm0, $0x3F800000, v5;
	v10 =	vmul.f32 v10, v18  }
0x1cd: {  	v12 =	vmul.f32 v12, v2;
	v11 =	vmax.f32 v11, $0.0e+00;
	v17 =	vmul.f32 v56, v2;
	v57 =	vpop (erf)  }
0x1ce: {  	v8 =	vmax.f32 v8, $0.0e+00;
	v11 =	vmul.f32 v11, v19;
	v18 =	vmul.f32 v10, v57  }
0x1cf: {  	v9 =	vmul.f32 v9, v2;
	v6 =	vmax.f32 v6, $0.0e+00;
	v8 =	vmul.f32 v8, v20;
	v58 =	vpop (erf)  }
0x1d0: {  	v13 =	vadd.f32 v13, v15;
	v18 =	vmul.f32 v18, v17;
	v15 =	vmul.f32 v11, v58  }
0x1d1: {  	v14 =	vadd.f32 v14, v16;
	v6 =	vmul.f32 v6, v21;
	v10 =	vmul.f32 v10, v17;
	v59 =	vpop (erf)  }
0x1d2: {  	v13 =	vadd.f32 v18, v13;
	v15 =	vmul.f32 v15, v9;
	v16 =	vmul.f32 v8, v59  }
0x1d3: {  	v7 =	vmul.f32 v7, v2;
	v10 =	vadd.f32 v10, v14;
	v9 =	vmul.f32 v11, v9;
	v60 =	vpop (erf)  }
0x1d4: {  	v13 =	vadd.f32 v15, v13;
	v61 =	vmul.f32 v16, v12;
	v11 =	vmul.f32 v6, v60  }
0x1d5: {  	v8 =	vmul.f32 v8, v12;
	v9 =	vadd.f32 v9, v10  }
0x1d6: {  	v62 =	vadd.f32 v61, v13;
	v11 =	vmul.f32 v11, v7  }
0x1d7: {  	v6 =	vmul.f32 v6, v7;
	v7 =	vadd.f32 v8, v9  }
0x1d8: {  	v63 =	vadd.f32 v11, v62  }
0x1d9: {  	s15 =	sadd.s32 $0x1, s15;
	v6 =	vadd.f32 v6, v7  }
0x1da: {  	p0 =	sne.s32 s15, s7;
	[tilespmem:$0x7D80] =	vst v63  }
.Ltmp3:
0x1db: {  	[tilespmem:$0x7D90] =	vst v6;
	(pc) =	sbr.rel @p0 .LBB2_1-.Ltmp3, $4  }
0x1dc: {  	[hbm4b:s6+s2] =	stream.linear.scatter [tilespmem:s13], [sflag:$0x4], $0x80, $0x38;
	[tilespmem:$0x7E00] =	vst v63  }
0x1dd: {  	_ =	swait.ge [sflag:s14], $0x80  }
0x1de: {  	[sflag:s14] =	ssyncset.done $0x0  }
0x1df: {  	[sflag:s14] =	ssyncadd.s32 $0xFFFFFF80  }
0x1e0: {  	_ =	sfence.sel $0x180000  }
0x1e1: {  	[bflag:$0x0] =	sbarrier.arrive $0xFFFF  }
0x1e2: {  	p0 =	sne.s32 s0, $0x0;
	_ =	strace $0x90000047  }
0x1e3: {  	s0 =	sadd.s32 @!p0 $0x100000, s1;
	[bflag:$0x2] =	sbarrier.arrive $0xFFFF  }
0x1e4: {  	[sflag:s0] =	ssyncadd.tile.s32 @!p0 $0x1;
	_ =	shalt  }
.Lfunc_end2:
_tile_overlayer_lowered:
.L_overlay_start_2:
0x1e5: {  	(tag) =	ssettag $0x2  }
0x1e6: {  	s0 =	rddreg [dreg:$0x0];
	s2 =	stileid.u32  }
0x1e7: {  	s1 =	rddreg [dreg:$0x1];
	p0 =	sne.s32 s2, $0x0  }
0x1e8: {  	s3 =	rddreg [dreg:$0x2];
	[bflag:$0x3] =	sbarrier.arrive $0xFFFF;
	s2 =	simm.s32 @!p0 $0x1C04  }
0x1e9: {  	[timem:s3], [sflag:s2] =	dma.local @!p0 [hbm:s0], s1  }
0x1ea: {  	s0 =	simm.s32 @!p0 $0x4  }
0x1eb: {  	_ =	swait.ge @!p0 [sflag:s0], s1  }
0x1ec: {  	s1 =	ssub.s32 @!p0 $0x0, s1;
	[sflag:s0] =	ssyncset.done @!p0 $0x0  }
0x1ed: {  	[sflag:s0] =	ssyncadd.s32 @!p0 s1  }
0x1ee: {  	[bflag:$0x3] =	sbarrier.arrive $0xFFFF  }
0x1ef: {  	_ =	shalt  }

</sc_bundles>
